<compile_context>
chip_gen: v7x
topology: tpu7x:2x2x1
jax: 0.10.2.dev20260603
libtpu: 0.0.44.dev20260713+nightly
codegen_flags: <defaults>
</compile_context>

<pallas_src>
import functools

import jax
import jax.numpy as jnp
from jax import lax
from jax.experimental import pallas as pl
from jax.experimental.pallas import tpu as pltpu
from jax.experimental.pallas import tpu_sc as plsc

TOPK = 2
NEXP = 8
HID = 2048
ALPHA = 0.01
BSZ = 4
SEQ = 8192
NTOK = BSZ * SEQ
NTILES = 16
LANES = 16
TBLK = 1024

TPT = NTOK // NTILES
GROUPS = TPT // LANES
TILES_PER_BATCH = SEQ // TPT



def _logits_body(wt_ref, x_ref, o_ref):
    xb = x_ref[...].astype(jnp.bfloat16)
    wb = wt_ref[...].astype(jnp.bfloat16)
    acc = lax.dot_general(
        xb, wb,
        dimension_numbers=(((1,), (0,)), ((), ())),
        preferred_element_type=jnp.float32,
    )
    o_ref[...] = acc.T


def _compute_logits(x2, wt):
    return pl.pallas_call(
        _logits_body,
        grid=(NTOK // TBLK,),
        in_specs=[
            pl.BlockSpec((HID, NEXP), lambda i: (0, 0)),
            pl.BlockSpec((TBLK, HID), lambda i: (i, 0)),
        ],
        out_specs=pl.BlockSpec((NEXP, TBLK), lambda i: (0, i)),
        out_shape=jax.ShapeDtypeStruct((NEXP, NTOK), jnp.float32),
    )(wt, x2)



def _router_body(logits_hbm, bias_hbm, idx_out, w_out, loss_out,
                 lg_v, bias_v, idxbuf_v, wbuf_v, stage_v, comb_v,
                 shared_sp, sem):
    wid = lax.axis_index("s")
    base = wid * TPT

    cps = [pltpu.async_copy(logits_hbm.at[e, pl.ds(base, TPT)],
                            lg_v.at[e], sem)
           for e in range(NEXP)]
    cps.append(pltpu.async_copy(bias_hbm, bias_v, sem))
    for c in cps:
        c.wait()

    bias_vec = bias_v[...]
    bias_s = [bias_vec[e] for e in range(NEXP)]
    iot = lax.iota(jnp.int32, LANES)
    zero_f = jnp.zeros((LANES,), jnp.float32)
    one_f = jnp.ones((LANES,), jnp.float32)

    def grp(g, carry):
        faccs, paccs = carry
        off = pl.multiple_of(g * LANES, LANES)
        ls = [lg_v[e, pl.ds(off, LANES)] for e in range(NEXP)]
        ss = [1.0 / (1.0 + jnp.exp(-l)) for l in ls]
        bs = [ls[e] + bias_s[e] for e in range(NEXP)]

        m1 = bs[0]
        i1 = jnp.zeros((LANES,), jnp.int32)
        s1 = ss[0]
        m2 = jnp.full((LANES,), -jnp.inf, jnp.float32)
        i2 = jnp.zeros((LANES,), jnp.int32)
        s2 = zero_f
        for e in range(1, NEXP):
            ev = jnp.full((LANES,), e, jnp.int32)
            gt1 = bs[e] > m1
            gt2 = bs[e] > m2
            m2n = jnp.where(gt1, m1, jnp.where(gt2, bs[e], m2))
            i2n = jnp.where(gt1, i1, jnp.where(gt2, ev, i2))
            s2n = jnp.where(gt1, s1, jnp.where(gt2, ss[e], s2))
            m1 = jnp.where(gt1, bs[e], m1)
            i1 = jnp.where(gt1, ev, i1)
            s1 = jnp.where(gt1, ss[e], s1)
            m2, i2, s2 = m2n, i2n, s2n

        den = s1 + s2 + jnp.float32(1e-10)
        w1 = s1 / den
        w2 = s2 / den

        ssum = ss[0]
        for e in range(1, NEXP):
            ssum = ssum + ss[e]
        inv = 1.0 / (ssum + jnp.float32(1e-10))

        new_f = []
        new_p = []
        for e in range(NEXP):
            ev = jnp.full((LANES,), e, jnp.int32)
            cnt = (jnp.where(i1 == ev, one_f, zero_f)
                   + jnp.where(i2 == ev, one_f, zero_f))
            new_f.append(faccs[e] + cnt)
            new_p.append(paccs[e] + ss[e] * inv)

        idxbuf_v[0, pl.ds(off, LANES)] = i1
        idxbuf_v[1, pl.ds(off, LANES)] = i2
        wbuf_v[0, pl.ds(off, LANES)] = w1
        wbuf_v[1, pl.ds(off, LANES)] = w2
        return (new_f, new_p)

    init = ([zero_f] * NEXP, [zero_f] * NEXP)
    faccs, paccs = lax.fori_loop(0, GROUPS, grp, init)

    fpart = jnp.zeros((LANES,), jnp.float32)
    ppart = jnp.zeros((LANES,), jnp.float32)
    for e in range(NEXP):
        fpart = jnp.where(iot == e, jnp.sum(faccs[e]), fpart)
        ppart = jnp.where(iot == e, jnp.sum(paccs[e]), ppart)
    stage_v[pl.ds(0, LANES)] = fpart
    stage_v[pl.ds(LANES, LANES)] = ppart

    ocps = []
    for r in range(TOPK):
        ocps.append(pltpu.async_copy(
            idxbuf_v.at[r], idx_out.at[r, pl.ds(base, TPT)], sem))
        ocps.append(pltpu.async_copy(
            wbuf_v.at[r], w_out.at[r, pl.ds(base, TPT)], sem))
    pltpu.sync_copy(stage_v, shared_sp.at[pl.ds(wid * 2 * LANES, 2 * LANES)])
    for c in ocps:
        c.wait()
    plsc.subcore_barrier()

    @pl.when(wid == 0)
    def _():
        pltpu.sync_copy(shared_sp, comb_v)
        acc = jnp.float32(0.0)
        for b in range(BSZ):
            r0 = b * TILES_PER_BATCH
            fvec = comb_v[pl.ds(r0 * 2 * LANES, LANES)]
            pvec = comb_v[pl.ds(r0 * 2 * LANES + LANES, LANES)]
            for j in range(1, TILES_PER_BATCH):
                fvec = fvec + comb_v[pl.ds((r0 + j) * 2 * LANES, LANES)]
                pvec = pvec + comb_v[pl.ds((r0 + j) * 2 * LANES + LANES, LANES)]
            acc = acc + jnp.sum(fvec * pvec)
        loss = acc * jnp.float32(ALPHA / (BSZ * TOPK * SEQ * SEQ))
        stage_v[pl.ds(0, LANES)] = jnp.where(iot == 0, loss, jnp.float32(0.0))
        pltpu.sync_copy(stage_v.at[pl.ds(0, LANES)], loss_out)


@functools.partial(
    pl.kernel,
    out_type=[
        jax.ShapeDtypeStruct((TOPK, NTOK), jnp.int32),
        jax.ShapeDtypeStruct((TOPK, NTOK), jnp.float32),
        jax.ShapeDtypeStruct((LANES,), jnp.float32),
    ],
    mesh=plsc.VectorSubcoreMesh(
        core_axis_name="c", subcore_axis_name="s", num_cores=1),
    compiler_params=pltpu.CompilerParams(needs_layout_passes=False),
    scratch_types=[
        pltpu.VMEM((NEXP, TPT), jnp.float32),
        pltpu.VMEM((LANES,), jnp.float32),
        pltpu.VMEM((TOPK, TPT), jnp.int32),
        pltpu.VMEM((TOPK, TPT), jnp.float32),
        pltpu.VMEM((2 * LANES,), jnp.float32),
        pltpu.VMEM((2 * NTILES * LANES,), jnp.float32),
        pltpu.VMEM_SHARED((2 * NTILES * LANES,), jnp.float32),
        pltpu.SemaphoreType.DMA,
    ],
)
def _router(logits_hbm, bias_hbm, idx_out, w_out, loss_out,
            lg_v, bias_v, idxbuf_v, wbuf_v, stage_v, comb_v,
            shared_sp, sem):
    _router_body(logits_hbm, bias_hbm, idx_out, w_out, loss_out,
                 lg_v, bias_v, idxbuf_v, wbuf_v, stage_v, comb_v,
                 shared_sp, sem)


def kernel(x, weight, expert_bias):
    x2 = x.reshape(NTOK, HID)
    bias16 = jnp.pad(expert_bias, (0, LANES - NEXP))
    logits_t = _compute_logits(x2, weight.T)
    idx_rows, w_rows, loss_vec = _router(logits_t, bias16)
    topk_indices = idx_rows.T
    topk_weights = w_rows.T
    return topk_indices, topk_weights, loss_vec[0]

# --- scband reference (transcript-rebuilt; emitter-appended) ---
"""Pipeline reference for scband-gate-38792144617563 (READ-ONLY COPY).

The authoritative reference and input builder live on the scoring server;
editing this copy changes nothing except your own understanding.
"""

import jax, jax.numpy as jnp
import numpy as np

TOP_K = 2
N_EXPERTS = 8
HIDDEN = 2048
ALPHA = 0.01
BSZ = 4
SEQ = 8192


def setup_inputs(seed: int = 0) -> dict:
    key = jax.random.key(seed)
    k1, k2 = jax.random.split(key)
    x = jax.random.normal(k1, (BSZ, SEQ, HIDDEN), dtype=jnp.float32)
    # kaiming_uniform_(a=sqrt(5)) on (E, H): bound = 1/sqrt(fan_in) = 1/sqrt(H)
    bound = 1.0 / np.sqrt(HIDDEN)
    weight = jax.random.uniform(k2, (N_EXPERTS, HIDDEN), minval=-bound, maxval=bound, dtype=jnp.float32)
    expert_bias = jnp.zeros((N_EXPERTS,), dtype=jnp.float32)
    return {"x": x, "weight": weight, "expert_bias": expert_bias}


def reference(x, weight, expert_bias):
    bsz, seq_len, h = x.shape
    x_flat = x.reshape(-1, h)
    logits = x_flat @ weight.T
    scores = jax.nn.sigmoid(logits)
    biased_logits = logits + expert_bias[None, :]
    _, topk_indices = jax.lax.top_k(biased_logits, TOP_K)
    topk_weights = jnp.take_along_axis(scores, topk_indices, axis=-1)
    if TOP_K > 1:
        denominator = topk_weights.sum(axis=-1, keepdims=True) + 1e-10
        topk_weights = topk_weights / denominator
    # expert load tracking (training-mode buffer update in torch)
    expert_load = jnp.bincount(topk_indices.reshape(-1), length=N_EXPERTS)
    # sequence-wise balance loss (training mode, seq_alpha > 0)
    scores_reshaped = scores.reshape(bsz, seq_len, N_EXPERTS)
    topk_idx_reshaped = topk_indices.reshape(bsz, seq_len, TOP_K)
    expert_mask = jax.nn.one_hot(topk_idx_reshaped.reshape(bsz, -1), N_EXPERTS, dtype=scores.dtype)
    f_i = expert_mask.sum(axis=1) / (TOP_K * seq_len)
    score_sums = scores_reshaped.sum(axis=2, keepdims=True)
    normalized_scores = scores_reshaped / (score_sums + 1e-10)
    P_i = normalized_scores.mean(axis=1)
    seq_losses = (f_i * P_i).sum(axis=1)
    aux_seq_loss = ALPHA * seq_losses.mean()
    return topk_indices, topk_weights, aux_seq_loss

if __name__ == "__main__":
    import jax
    _d = setup_inputs()
    print(jax.jit(kernel)(*tuple(_d.values())))

</pallas_src>

<mosaic_0001>
#map = affine_map<(d0, d1) -> (0, 0)>
#map1 = affine_map<(d0, d1) -> (0)>
module attributes {stable_mosaic.version = 14 : i64} {
  func.func @_router(%arg0: i32, %arg1: i32, %arg2: memref<8x32768xf32, #tpu.memory_space<hbm>>, %arg3: memref<16xf32, #tpu.memory_space<hbm>>, %arg4: memref<2x32768xi32, #tpu.memory_space<hbm>>, %arg5: memref<2x32768xf32, #tpu.memory_space<hbm>>, %arg6: memref<16xf32, #tpu.memory_space<hbm>>, %arg7: memref<8x2048xf32, #tpu.memory_space<vmem>>, %arg8: memref<16xf32, #tpu.memory_space<vmem>>, %arg9: memref<2x2048xi32, #tpu.memory_space<vmem>>, %arg10: memref<2x2048xf32, #tpu.memory_space<vmem>>, %arg11: memref<32xf32, #tpu.memory_space<vmem>>, %arg12: memref<512xf32, #tpu.memory_space<vmem>>, %arg13: memref<512xf32, #tpu.memory_space<vmem_shared>>, %arg14: memref<!tpu.dma_semaphore, #tpu.memory_space<semaphore_mem>>) attributes {dimension_semantics = [#tpu.dimension_semantics<core_parallel>, #tpu.dimension_semantics<subcore_parallel>], iteration_bounds = array<i64: 1, 16>, scalar_prefetch = 0 : i64, scratch_operands = 8 : i64, tpu.core_type = #tpu.core_type<sc_vector_subcore>, window_params = [{transform_indices = #map}, {transform_indices = #map1}, {transform_indices = #map}, {transform_indices = #map}, {transform_indices = #map1}]} {
    %mul3A = arith.constant 2048 : i32
    %mul3A_0 = arith.muli %arg1, %mul3A : i32
    %dma_start3A = arith.constant 0 : i32
    %dma_start3A_1 = arith.constant 0 : i32
    %dma_start3A_2 = arith.constant 0 : i32
    %dma_start3A_3 = tpu.memref_slice %arg7[%dma_start3A_1, %dma_start3A_2] : memref<8x2048xf32, #tpu.memory_space<vmem>> -> memref<1x2048xf32, #tpu.memory_space<vmem>>
    %dma_start3A_4 = tpu.memref_squeeze %dma_start3A_3 : memref<1x2048xf32, #tpu.memory_space<vmem>> -> memref<2048xf32, #tpu.memory_space<vmem>>
    %dma_start3A_5 = tpu.memref_slice %arg2[%dma_start3A, %mul3A_0] : memref<8x32768xf32, #tpu.memory_space<hbm>> -> memref<1x2048xf32, #tpu.memory_space<hbm>>
    %dma_start3A_6 = tpu.memref_squeeze %dma_start3A_5 : memref<1x2048xf32, #tpu.memory_space<hbm>> -> memref<2048xf32, #tpu.memory_space<hbm>>
    %dma_start3A_7 = arith.constant 0 : i32
    %dma_start3A_8 = tpu.memref_slice %arg7[%dma_start3A_1, %dma_start3A_7] : memref<8x2048xf32, #tpu.memory_space<vmem>> -> memref<1x2048xf32, #tpu.memory_space<vmem>>
    %dma_start3A_9 = tpu.memref_squeeze %dma_start3A_8 : memref<1x2048xf32, #tpu.memory_space<vmem>> -> memref<2048xf32, #tpu.memory_space<vmem>>
    %dma_start3A_10 = tpu.memref_slice %arg2[%dma_start3A, %mul3A_0] : memref<8x32768xf32, #tpu.memory_space<hbm>> -> memref<1x2048xf32, #tpu.memory_space<hbm>>
    %dma_start3A_11 = tpu.memref_squeeze %dma_start3A_10 : memref<1x2048xf32, #tpu.memory_space<hbm>> -> memref<2048xf32, #tpu.memory_space<hbm>>
    tpu.enqueue_dma source(%dma_start3A_11 : memref<2048xf32, #tpu.memory_space<hbm>>) target(%dma_start3A_9 : memref<2048xf32, #tpu.memory_space<vmem>>) target_semaphore(%arg14 : memref<!tpu.dma_semaphore, #tpu.memory_space<semaphore_mem>>)
    %dma_start3A_12 = arith.constant 1 : i32
    %dma_start3A_13 = arith.constant 1 : i32
    %dma_start3A_14 = arith.constant 0 : i32
    %dma_start3A_15 = tpu.memref_slice %arg7[%dma_start3A_13, %dma_start3A_14] : memref<8x2048xf32, #tpu.memory_space<vmem>> -> memref<1x2048xf32, #tpu.memory_space<vmem>>
    %dma_start3A_16 = tpu.memref_squeeze %dma_start3A_15 : memref<1x2048xf32, #tpu.memory_space<vmem>> -> memref<2048xf32, #tpu.memory_space<vmem>>
    %dma_start3A_17 = tpu.memref_slice %arg2[%dma_start3A_12, %mul3A_0] : memref<8x32768xf32, #tpu.memory_space<hbm>> -> memref<1x2048xf32, #tpu.memory_space<hbm>>
    %dma_start3A_18 = tpu.memref_squeeze %dma_start3A_17 : memref<1x2048xf32, #tpu.memory_space<hbm>> -> memref<2048xf32, #tpu.memory_space<hbm>>
    %dma_start3A_19 = arith.constant 0 : i32
    %dma_start3A_20 = tpu.memref_slice %arg7[%dma_start3A_13, %dma_start3A_19] : memref<8x2048xf32, #tpu.memory_space<vmem>> -> memref<1x2048xf32, #tpu.memory_space<vmem>>
    %dma_start3A_21 = tpu.memref_squeeze %dma_start3A_20 : memref<1x2048xf32, #tpu.memory_space<vmem>> -> memref<2048xf32, #tpu.memory_space<vmem>>
    %dma_start3A_22 = tpu.memref_slice %arg2[%dma_start3A_12, %mul3A_0] : memref<8x32768xf32, #tpu.memory_space<hbm>> -> memref<1x2048xf32, #tpu.memory_space<hbm>>
    %dma_start3A_23 = tpu.memref_squeeze %dma_start3A_22 : memref<1x2048xf32, #tpu.memory_space<hbm>> -> memref<2048xf32, #tpu.memory_space<hbm>>
    tpu.enqueue_dma source(%dma_start3A_23 : memref<2048xf32, #tpu.memory_space<hbm>>) target(%dma_start3A_21 : memref<2048xf32, #tpu.memory_space<vmem>>) target_semaphore(%arg14 : memref<!tpu.dma_semaphore, #tpu.memory_space<semaphore_mem>>)
    %dma_start3A_24 = arith.constant 2 : i32
    %dma_start3A_25 = arith.constant 2 : i32
    %dma_start3A_26 = arith.constant 0 : i32
    %dma_start3A_27 = tpu.memref_slice %arg7[%dma_start3A_25, %dma_start3A_26] : memref<8x2048xf32, #tpu.memory_space<vmem>> -> memref<1x2048xf32, #tpu.memory_space<vmem>>
    %dma_start3A_28 = tpu.memref_squeeze %dma_start3A_27 : memref<1x2048xf32, #tpu.memory_space<vmem>> -> memref<2048xf32, #tpu.memory_space<vmem>>
    %dma_start3A_29 = tpu.memref_slice %arg2[%dma_start3A_24, %mul3A_0] : memref<8x32768xf32, #tpu.memory_space<hbm>> -> memref<1x2048xf32, #tpu.memory_space<hbm>>
    %dma_start3A_30 = tpu.memref_squeeze %dma_start3A_29 : memref<1x2048xf32, #tpu.memory_space<hbm>> -> memref<2048xf32, #tpu.memory_space<hbm>>
    %dma_start3A_31 = arith.constant 0 : i32
    %dma_start3A_32 = tpu.memref_slice %arg7[%dma_start3A_25, %dma_start3A_31] : memref<8x2048xf32, #tpu.memory_space<vmem>> -> memref<1x2048xf32, #tpu.memory_space<vmem>>
    %dma_start3A_33 = tpu.memref_squeeze %dma_start3A_32 : memref<1x2048xf32, #tpu.memory_space<vmem>> -> memref<2048xf32, #tpu.memory_space<vmem>>
    %dma_start3A_34 = tpu.memref_slice %arg2[%dma_start3A_24, %mul3A_0] : memref<8x32768xf32, #tpu.memory_space<hbm>> -> memref<1x2048xf32, #tpu.memory_space<hbm>>
    %dma_start3A_35 = tpu.memref_squeeze %dma_start3A_34 : memref<1x2048xf32, #tpu.memory_space<hbm>> -> memref<2048xf32, #tpu.memory_space<hbm>>
    tpu.enqueue_dma source(%dma_start3A_35 : memref<2048xf32, #tpu.memory_space<hbm>>) target(%dma_start3A_33 : memref<2048xf32, #tpu.memory_space<vmem>>) target_semaphore(%arg14 : memref<!tpu.dma_semaphore, #tpu.memory_space<semaphore_mem>>)
    %dma_start3A_36 = arith.constant 3 : i32
    %dma_start3A_37 = arith.constant 3 : i32
    %dma_start3A_38 = arith.constant 0 : i32
    %dma_start3A_39 = tpu.memref_slice %arg7[%dma_start3A_37, %dma_start3A_38] : memref<8x2048xf32, #tpu.memory_space<vmem>> -> memref<1x2048xf32, #tpu.memory_space<vmem>>
    %dma_start3A_40 = tpu.memref_squeeze %dma_start3A_39 : memref<1x2048xf32, #tpu.memory_space<vmem>> -> memref<2048xf32, #tpu.memory_space<vmem>>
    %dma_start3A_41 = tpu.memref_slice %arg2[%dma_start3A_36, %mul3A_0] : memref<8x32768xf32, #tpu.memory_space<hbm>> -> memref<1x2048xf32, #tpu.memory_space<hbm>>
    %dma_start3A_42 = tpu.memref_squeeze %dma_start3A_41 : memref<1x2048xf32, #tpu.memory_space<hbm>> -> memref<2048xf32, #tpu.memory_space<hbm>>
    %dma_start3A_43 = arith.constant 0 : i32
    %dma_start3A_44 = tpu.memref_slice %arg7[%dma_start3A_37, %dma_start3A_43] : memref<8x2048xf32, #tpu.memory_space<vmem>> -> memref<1x2048xf32, #tpu.memory_space<vmem>>
    %dma_start3A_45 = tpu.memref_squeeze %dma_start3A_44 : memref<1x2048xf32, #tpu.memory_space<vmem>> -> memref<2048xf32, #tpu.memory_space<vmem>>
    %dma_start3A_46 = tpu.memref_slice %arg2[%dma_start3A_36, %mul3A_0] : memref<8x32768xf32, #tpu.memory_space<hbm>> -> memref<1x2048xf32, #tpu.memory_space<hbm>>
    %dma_start3A_47 = tpu.memref_squeeze %dma_start3A_46 : memref<1x2048xf32, #tpu.memory_space<hbm>> -> memref<2048xf32, #tpu.memory_space<hbm>>
    tpu.enqueue_dma source(%dma_start3A_47 : memref<2048xf32, #tpu.memory_space<hbm>>) target(%dma_start3A_45 : memref<2048xf32, #tpu.memory_space<vmem>>) target_semaphore(%arg14 : memref<!tpu.dma_semaphore, #tpu.memory_space<semaphore_mem>>)
    %dma_start3A_48 = arith.constant 4 : i32
    %dma_start3A_49 = arith.constant 4 : i32
    %dma_start3A_50 = arith.constant 0 : i32
    %dma_start3A_51 = tpu.memref_slice %arg7[%dma_start3A_49, %dma_start3A_50] : memref<8x2048xf32, #tpu.memory_space<vmem>> -> memref<1x2048xf32, #tpu.memory_space<vmem>>
    %dma_start3A_52 = tpu.memref_squeeze %dma_start3A_51 : memref<1x2048xf32, #tpu.memory_space<vmem>> -> memref<2048xf32, #tpu.memory_space<vmem>>
    %dma_start3A_53 = tpu.memref_slice %arg2[%dma_start3A_48, %mul3A_0] : memref<8x32768xf32, #tpu.memory_space<hbm>> -> memref<1x2048xf32, #tpu.memory_space<hbm>>
    %dma_start3A_54 = tpu.memref_squeeze %dma_start3A_53 : memref<1x2048xf32, #tpu.memory_space<hbm>> -> memref<2048xf32, #tpu.memory_space<hbm>>
    %dma_start3A_55 = arith.constant 0 : i32
    %dma_start3A_56 = tpu.memref_slice %arg7[%dma_start3A_49, %dma_start3A_55] : memref<8x2048xf32, #tpu.memory_space<vmem>> -> memref<1x2048xf32, #tpu.memory_space<vmem>>
    %dma_start3A_57 = tpu.memref_squeeze %dma_start3A_56 : memref<1x2048xf32, #tpu.memory_space<vmem>> -> memref<2048xf32, #tpu.memory_space<vmem>>
    %dma_start3A_58 = tpu.memref_slice %arg2[%dma_start3A_48, %mul3A_0] : memref<8x32768xf32, #tpu.memory_space<hbm>> -> memref<1x2048xf32, #tpu.memory_space<hbm>>
    %dma_start3A_59 = tpu.memref_squeeze %dma_start3A_58 : memref<1x2048xf32, #tpu.memory_space<hbm>> -> memref<2048xf32, #tpu.memory_space<hbm>>
    tpu.enqueue_dma source(%dma_start3A_59 : memref<2048xf32, #tpu.memory_space<hbm>>) target(%dma_start3A_57 : memref<2048xf32, #tpu.memory_space<vmem>>) target_semaphore(%arg14 : memref<!tpu.dma_semaphore, #tpu.memory_space<semaphore_mem>>)
    %dma_start3A_60 = arith.constant 5 : i32
    %dma_start3A_61 = arith.constant 5 : i32
    %dma_start3A_62 = arith.constant 0 : i32
    %dma_start3A_63 = tpu.memref_slice %arg7[%dma_start3A_61, %dma_start3A_62] : memref<8x2048xf32, #tpu.memory_space<vmem>> -> memref<1x2048xf32, #tpu.memory_space<vmem>>
    %dma_start3A_64 = tpu.memref_squeeze %dma_start3A_63 : memref<1x2048xf32, #tpu.memory_space<vmem>> -> memref<2048xf32, #tpu.memory_space<vmem>>
    %dma_start3A_65 = tpu.memref_slice %arg2[%dma_start3A_60, %mul3A_0] : memref<8x32768xf32, #tpu.memory_space<hbm>> -> memref<1x2048xf32, #tpu.memory_space<hbm>>
    %dma_start3A_66 = tpu.memref_squeeze %dma_start3A_65 : memref<1x2048xf32, #tpu.memory_space<hbm>> -> memref<2048xf32, #tpu.memory_space<hbm>>
    %dma_start3A_67 = arith.constant 0 : i32
    %dma_start3A_68 = tpu.memref_slice %arg7[%dma_start3A_61, %dma_start3A_67] : memref<8x2048xf32, #tpu.memory_space<vmem>> -> memref<1x2048xf32, #tpu.memory_space<vmem>>
    %dma_start3A_69 = tpu.memref_squeeze %dma_start3A_68 : memref<1x2048xf32, #tpu.memory_space<vmem>> -> memref<2048xf32, #tpu.memory_space<vmem>>
    %dma_start3A_70 = tpu.memref_slice %arg2[%dma_start3A_60, %mul3A_0] : memref<8x32768xf32, #tpu.memory_space<hbm>> -> memref<1x2048xf32, #tpu.memory_space<hbm>>
    %dma_start3A_71 = tpu.memref_squeeze %dma_start3A_70 : memref<1x2048xf32, #tpu.memory_space<hbm>> -> memref<2048xf32, #tpu.memory_space<hbm>>
    tpu.enqueue_dma source(%dma_start3A_71 : memref<2048xf32, #tpu.memory_space<hbm>>) target(%dma_start3A_69 : memref<2048xf32, #tpu.memory_space<vmem>>) target_semaphore(%arg14 : memref<!tpu.dma_semaphore, #tpu.memory_space<semaphore_mem>>)
    %dma_start3A_72 = arith.constant 6 : i32
    %dma_start3A_73 = arith.constant 6 : i32
    %dma_start3A_74 = arith.constant 0 : i32
    %dma_start3A_75 = tpu.memref_slice %arg7[%dma_start3A_73, %dma_start3A_74] : memref<8x2048xf32, #tpu.memory_space<vmem>> -> memref<1x2048xf32, #tpu.memory_space<vmem>>
    %dma_start3A_76 = tpu.memref_squeeze %dma_start3A_75 : memref<1x2048xf32, #tpu.memory_space<vmem>> -> memref<2048xf32, #tpu.memory_space<vmem>>
    %dma_start3A_77 = tpu.memref_slice %arg2[%dma_start3A_72, %mul3A_0] : memref<8x32768xf32, #tpu.memory_space<hbm>> -> memref<1x2048xf32, #tpu.memory_space<hbm>>
    %dma_start3A_78 = tpu.memref_squeeze %dma_start3A_77 : memref<1x2048xf32, #tpu.memory_space<hbm>> -> memref<2048xf32, #tpu.memory_space<hbm>>
    %dma_start3A_79 = arith.constant 0 : i32
    %dma_start3A_80 = tpu.memref_slice %arg7[%dma_start3A_73, %dma_start3A_79] : memref<8x2048xf32, #tpu.memory_space<vmem>> -> memref<1x2048xf32, #tpu.memory_space<vmem>>
    %dma_start3A_81 = tpu.memref_squeeze %dma_start3A_80 : memref<1x2048xf32, #tpu.memory_space<vmem>> -> memref<2048xf32, #tpu.memory_space<vmem>>
    %dma_start3A_82 = tpu.memref_slice %arg2[%dma_start3A_72, %mul3A_0] : memref<8x32768xf32, #tpu.memory_space<hbm>> -> memref<1x2048xf32, #tpu.memory_space<hbm>>
    %dma_start3A_83 = tpu.memref_squeeze %dma_start3A_82 : memref<1x2048xf32, #tpu.memory_space<hbm>> -> memref<2048xf32, #tpu.memory_space<hbm>>
    tpu.enqueue_dma source(%dma_start3A_83 : memref<2048xf32, #tpu.memory_space<hbm>>) target(%dma_start3A_81 : memref<2048xf32, #tpu.memory_space<vmem>>) target_semaphore(%arg14 : memref<!tpu.dma_semaphore, #tpu.memory_space<semaphore_mem>>)
    %dma_start3A_84 = arith.constant 7 : i32
    %dma_start3A_85 = arith.constant 7 : i32
    %dma_start3A_86 = arith.constant 0 : i32
    %dma_start3A_87 = tpu.memref_slice %arg7[%dma_start3A_85, %dma_start3A_86] : memref<8x2048xf32, #tpu.memory_space<vmem>> -> memref<1x2048xf32, #tpu.memory_space<vmem>>
    %dma_start3A_88 = tpu.memref_squeeze %dma_start3A_87 : memref<1x2048xf32, #tpu.memory_space<vmem>> -> memref<2048xf32, #tpu.memory_space<vmem>>
    %dma_start3A_89 = tpu.memref_slice %arg2[%dma_start3A_84, %mul3A_0] : memref<8x32768xf32, #tpu.memory_space<hbm>> -> memref<1x2048xf32, #tpu.memory_space<hbm>>
    %dma_start3A_90 = tpu.memref_squeeze %dma_start3A_89 : memref<1x2048xf32, #tpu.memory_space<hbm>> -> memref<2048xf32, #tpu.memory_space<hbm>>
    %dma_start3A_91 = arith.constant 0 : i32
    %dma_start3A_92 = tpu.memref_slice %arg7[%dma_start3A_85, %dma_start3A_91] : memref<8x2048xf32, #tpu.memory_space<vmem>> -> memref<1x2048xf32, #tpu.memory_space<vmem>>
    %dma_start3A_93 = tpu.memref_squeeze %dma_start3A_92 : memref<1x2048xf32, #tpu.memory_space<vmem>> -> memref<2048xf32, #tpu.memory_space<vmem>>
    %dma_start3A_94 = tpu.memref_slice %arg2[%dma_start3A_84, %mul3A_0] : memref<8x32768xf32, #tpu.memory_space<hbm>> -> memref<1x2048xf32, #tpu.memory_space<hbm>>
    %dma_start3A_95 = tpu.memref_squeeze %dma_start3A_94 : memref<1x2048xf32, #tpu.memory_space<hbm>> -> memref<2048xf32, #tpu.memory_space<hbm>>
    tpu.enqueue_dma source(%dma_start3A_95 : memref<2048xf32, #tpu.memory_space<hbm>>) target(%dma_start3A_93 : memref<2048xf32, #tpu.memory_space<vmem>>) target_semaphore(%arg14 : memref<!tpu.dma_semaphore, #tpu.memory_space<semaphore_mem>>)
    tpu.enqueue_dma source(%arg3 : memref<16xf32, #tpu.memory_space<hbm>>) target(%arg8 : memref<16xf32, #tpu.memory_space<vmem>>) target_semaphore(%arg14 : memref<!tpu.dma_semaphore, #tpu.memory_space<semaphore_mem>>)
    %dma_wait3A = arith.constant 0 : i32
    %dma_wait3A_96 = arith.constant 0 : i32
    %dma_wait3A_97 = arith.constant 0 : i32
    %dma_wait3A_98 = tpu.memref_slice %arg7[%dma_wait3A_96, %dma_wait3A_97] : memref<8x2048xf32, #tpu.memory_space<vmem>> -> memref<1x2048xf32, #tpu.memory_space<vmem>>
    %dma_wait3A_99 = tpu.memref_squeeze %dma_wait3A_98 : memref<1x2048xf32, #tpu.memory_space<vmem>> -> memref<2048xf32, #tpu.memory_space<vmem>>
    %dma_wait3A_100 = tpu.memref_slice %arg2[%dma_wait3A, %mul3A_0] : memref<8x32768xf32, #tpu.memory_space<hbm>> -> memref<1x2048xf32, #tpu.memory_space<hbm>>
    %dma_wait3A_101 = tpu.memref_squeeze %dma_wait3A_100 : memref<1x2048xf32, #tpu.memory_space<hbm>> -> memref<2048xf32, #tpu.memory_space<hbm>>
    %dma_wait3A_102 = arith.constant 0 : i32
    %dma_wait3A_103 = tpu.memref_slice %arg7[%dma_wait3A_96, %dma_wait3A_102] : memref<8x2048xf32, #tpu.memory_space<vmem>> -> memref<1x2048xf32, #tpu.memory_space<vmem>>
    %dma_wait3A_104 = tpu.memref_squeeze %dma_wait3A_103 : memref<1x2048xf32, #tpu.memory_space<vmem>> -> memref<2048xf32, #tpu.memory_space<vmem>>
    %dma_wait3A_105 = tpu.memref_slice %arg2[%dma_wait3A, %mul3A_0] : memref<8x32768xf32, #tpu.memory_space<hbm>> -> memref<1x2048xf32, #tpu.memory_space<hbm>>
    %dma_wait3A_106 = tpu.memref_squeeze %dma_wait3A_105 : memref<1x2048xf32, #tpu.memory_space<hbm>> -> memref<2048xf32, #tpu.memory_space<hbm>>
    tpu.wait_dma2 semaphore(%arg14 : memref<!tpu.dma_semaphore, #tpu.memory_space<semaphore_mem>>) src(%dma_wait3A_106 : memref<2048xf32, #tpu.memory_space<hbm>>) dst(%dma_wait3A_104 : memref<2048xf32, #tpu.memory_space<vmem>>)
    %dma_wait3A_107 = arith.constant 1 : i32
    %dma_wait3A_108 = arith.constant 1 : i32
    %dma_wait3A_109 = arith.constant 0 : i32
    %dma_wait3A_110 = tpu.memref_slice %arg7[%dma_wait3A_108, %dma_wait3A_109] : memref<8x2048xf32, #tpu.memory_space<vmem>> -> memref<1x2048xf32, #tpu.memory_space<vmem>>
    %dma_wait3A_111 = tpu.memref_squeeze %dma_wait3A_110 : memref<1x2048xf32, #tpu.memory_space<vmem>> -> memref<2048xf32, #tpu.memory_space<vmem>>
    %dma_wait3A_112 = tpu.memref_slice %arg2[%dma_wait3A_107, %mul3A_0] : memref<8x32768xf32, #tpu.memory_space<hbm>> -> memref<1x2048xf32, #tpu.memory_space<hbm>>
    %dma_wait3A_113 = tpu.memref_squeeze %dma_wait3A_112 : memref<1x2048xf32, #tpu.memory_space<hbm>> -> memref<2048xf32, #tpu.memory_space<hbm>>
    %dma_wait3A_114 = arith.constant 0 : i32
    %dma_wait3A_115 = tpu.memref_slice %arg7[%dma_wait3A_108, %dma_wait3A_114] : memref<8x2048xf32, #tpu.memory_space<vmem>> -> memref<1x2048xf32, #tpu.memory_space<vmem>>
    %dma_wait3A_116 = tpu.memref_squeeze %dma_wait3A_115 : memref<1x2048xf32, #tpu.memory_space<vmem>> -> memref<2048xf32, #tpu.memory_space<vmem>>
    %dma_wait3A_117 = tpu.memref_slice %arg2[%dma_wait3A_107, %mul3A_0] : memref<8x32768xf32, #tpu.memory_space<hbm>> -> memref<1x2048xf32, #tpu.memory_space<hbm>>
    %dma_wait3A_118 = tpu.memref_squeeze %dma_wait3A_117 : memref<1x2048xf32, #tpu.memory_space<hbm>> -> memref<2048xf32, #tpu.memory_space<hbm>>
    tpu.wait_dma2 semaphore(%arg14 : memref<!tpu.dma_semaphore, #tpu.memory_space<semaphore_mem>>) src(%dma_wait3A_118 : memref<2048xf32, #tpu.memory_space<hbm>>) dst(%dma_wait3A_116 : memref<2048xf32, #tpu.memory_space<vmem>>)
    %dma_wait3A_119 = arith.constant 2 : i32
    %dma_wait3A_120 = arith.constant 2 : i32
    %dma_wait3A_121 = arith.constant 0 : i32
    %dma_wait3A_122 = tpu.memref_slice %arg7[%dma_wait3A_120, %dma_wait3A_121] : memref<8x2048xf32, #tpu.memory_space<vmem>> -> memref<1x2048xf32, #tpu.memory_space<vmem>>
    %dma_wait3A_123 = tpu.memref_squeeze %dma_wait3A_122 : memref<1x2048xf32, #tpu.memory_space<vmem>> -> memref<2048xf32, #tpu.memory_space<vmem>>
    %dma_wait3A_124 = tpu.memref_slice %arg2[%dma_wait3A_119, %mul3A_0] : memref<8x32768xf32, #tpu.memory_space<hbm>> -> memref<1x2048xf32, #tpu.memory_space<hbm>>
    %dma_wait3A_125 = tpu.memref_squeeze %dma_wait3A_124 : memref<1x2048xf32, #tpu.memory_space<hbm>> -> memref<2048xf32, #tpu.memory_space<hbm>>
    %dma_wait3A_126 = arith.constant 0 : i32
    %dma_wait3A_127 = tpu.memref_slice %arg7[%dma_wait3A_120, %dma_wait3A_126] : memref<8x2048xf32, #tpu.memory_space<vmem>> -> memref<1x2048xf32, #tpu.memory_space<vmem>>
    %dma_wait3A_128 = tpu.memref_squeeze %dma_wait3A_127 : memref<1x2048xf32, #tpu.memory_space<vmem>> -> memref<2048xf32, #tpu.memory_space<vmem>>
    %dma_wait3A_129 = tpu.memref_slice %arg2[%dma_wait3A_119, %mul3A_0] : memref<8x32768xf32, #tpu.memory_space<hbm>> -> memref<1x2048xf32, #tpu.memory_space<hbm>>
    %dma_wait3A_130 = tpu.memref_squeeze %dma_wait3A_129 : memref<1x2048xf32, #tpu.memory_space<hbm>> -> memref<2048xf32, #tpu.memory_space<hbm>>
    tpu.wait_dma2 semaphore(%arg14 : memref<!tpu.dma_semaphore, #tpu.memory_space<semaphore_mem>>) src(%dma_wait3A_130 : memref<2048xf32, #tpu.memory_space<hbm>>) dst(%dma_wait3A_128 : memref<2048xf32, #tpu.memory_space<vmem>>)
    %dma_wait3A_131 = arith.constant 3 : i32
    %dma_wait3A_132 = arith.constant 3 : i32
    %dma_wait3A_133 = arith.constant 0 : i32
    %dma_wait3A_134 = tpu.memref_slice %arg7[%dma_wait3A_132, %dma_wait3A_133] : memref<8x2048xf32, #tpu.memory_space<vmem>> -> memref<1x2048xf32, #tpu.memory_space<vmem>>
    %dma_wait3A_135 = tpu.memref_squeeze %dma_wait3A_134 : memref<1x2048xf32, #tpu.memory_space<vmem>> -> memref<2048xf32, #tpu.memory_space<vmem>>
    %dma_wait3A_136 = tpu.memref_slice %arg2[%dma_wait3A_131, %mul3A_0] : memref<8x32768xf32, #tpu.memory_space<hbm>> -> memref<1x2048xf32, #tpu.memory_space<hbm>>
    %dma_wait3A_137 = tpu.memref_squeeze %dma_wait3A_136 : memref<1x2048xf32, #tpu.memory_space<hbm>> -> memref<2048xf32, #tpu.memory_space<hbm>>
    %dma_wait3A_138 = arith.constant 0 : i32
    %dma_wait3A_139 = tpu.memref_slice %arg7[%dma_wait3A_132, %dma_wait3A_138] : memref<8x2048xf32, #tpu.memory_space<vmem>> -> memref<1x2048xf32, #tpu.memory_space<vmem>>
    %dma_wait3A_140 = tpu.memref_squeeze %dma_wait3A_139 : memref<1x2048xf32, #tpu.memory_space<vmem>> -> memref<2048xf32, #tpu.memory_space<vmem>>
    %dma_wait3A_141 = tpu.memref_slice %arg2[%dma_wait3A_131, %mul3A_0] : memref<8x32768xf32, #tpu.memory_space<hbm>> -> memref<1x2048xf32, #tpu.memory_space<hbm>>
    %dma_wait3A_142 = tpu.memref_squeeze %dma_wait3A_141 : memref<1x2048xf32, #tpu.memory_space<hbm>> -> memref<2048xf32, #tpu.memory_space<hbm>>
    tpu.wait_dma2 semaphore(%arg14 : memref<!tpu.dma_semaphore, #tpu.memory_space<semaphore_mem>>) src(%dma_wait3A_142 : memref<2048xf32, #tpu.memory_space<hbm>>) dst(%dma_wait3A_140 : memref<2048xf32, #tpu.memory_space<vmem>>)
    %dma_wait3A_143 = arith.constant 4 : i32
    %dma_wait3A_144 = arith.constant 4 : i32
    %dma_wait3A_145 = arith.constant 0 : i32
    %dma_wait3A_146 = tpu.memref_slice %arg7[%dma_wait3A_144, %dma_wait3A_145] : memref<8x2048xf32, #tpu.memory_space<vmem>> -> memref<1x2048xf32, #tpu.memory_space<vmem>>
    %dma_wait3A_147 = tpu.memref_squeeze %dma_wait3A_146 : memref<1x2048xf32, #tpu.memory_space<vmem>> -> memref<2048xf32, #tpu.memory_space<vmem>>
    %dma_wait3A_148 = tpu.memref_slice %arg2[%dma_wait3A_143, %mul3A_0] : memref<8x32768xf32, #tpu.memory_space<hbm>> -> memref<1x2048xf32, #tpu.memory_space<hbm>>
    %dma_wait3A_149 = tpu.memref_squeeze %dma_wait3A_148 : memref<1x2048xf32, #tpu.memory_space<hbm>> -> memref<2048xf32, #tpu.memory_space<hbm>>
    %dma_wait3A_150 = arith.constant 0 : i32
    %dma_wait3A_151 = tpu.memref_slice %arg7[%dma_wait3A_144, %dma_wait3A_150] : memref<8x2048xf32, #tpu.memory_space<vmem>> -> memref<1x2048xf32, #tpu.memory_space<vmem>>
    %dma_wait3A_152 = tpu.memref_squeeze %dma_wait3A_151 : memref<1x2048xf32, #tpu.memory_space<vmem>> -> memref<2048xf32, #tpu.memory_space<vmem>>
    %dma_wait3A_153 = tpu.memref_slice %arg2[%dma_wait3A_143, %mul3A_0] : memref<8x32768xf32, #tpu.memory_space<hbm>> -> memref<1x2048xf32, #tpu.memory_space<hbm>>
    %dma_wait3A_154 = tpu.memref_squeeze %dma_wait3A_153 : memref<1x2048xf32, #tpu.memory_space<hbm>> -> memref<2048xf32, #tpu.memory_space<hbm>>
    tpu.wait_dma2 semaphore(%arg14 : memref<!tpu.dma_semaphore, #tpu.memory_space<semaphore_mem>>) src(%dma_wait3A_154 : memref<2048xf32, #tpu.memory_space<hbm>>) dst(%dma_wait3A_152 : memref<2048xf32, #tpu.memory_space<vmem>>)
    %dma_wait3A_155 = arith.constant 5 : i32
    %dma_wait3A_156 = arith.constant 5 : i32
    %dma_wait3A_157 = arith.constant 0 : i32
    %dma_wait3A_158 = tpu.memref_slice %arg7[%dma_wait3A_156, %dma_wait3A_157] : memref<8x2048xf32, #tpu.memory_space<vmem>> -> memref<1x2048xf32, #tpu.memory_space<vmem>>
    %dma_wait3A_159 = tpu.memref_squeeze %dma_wait3A_158 : memref<1x2048xf32, #tpu.memory_space<vmem>> -> memref<2048xf32, #tpu.memory_space<vmem>>
    %dma_wait3A_160 = tpu.memref_slice %arg2[%dma_wait3A_155, %mul3A_0] : memref<8x32768xf32, #tpu.memory_space<hbm>> -> memref<1x2048xf32, #tpu.memory_space<hbm>>
    %dma_wait3A_161 = tpu.memref_squeeze %dma_wait3A_160 : memref<1x2048xf32, #tpu.memory_space<hbm>> -> memref<2048xf32, #tpu.memory_space<hbm>>
    %dma_wait3A_162 = arith.constant 0 : i32
    %dma_wait3A_163 = tpu.memref_slice %arg7[%dma_wait3A_156, %dma_wait3A_162] : memref<8x2048xf32, #tpu.memory_space<vmem>> -> memref<1x2048xf32, #tpu.memory_space<vmem>>
    %dma_wait3A_164 = tpu.memref_squeeze %dma_wait3A_163 : memref<1x2048xf32, #tpu.memory_space<vmem>> -> memref<2048xf32, #tpu.memory_space<vmem>>
    %dma_wait3A_165 = tpu.memref_slice %arg2[%dma_wait3A_155, %mul3A_0] : memref<8x32768xf32, #tpu.memory_space<hbm>> -> memref<1x2048xf32, #tpu.memory_space<hbm>>
    %dma_wait3A_166 = tpu.memref_squeeze %dma_wait3A_165 : memref<1x2048xf32, #tpu.memory_space<hbm>> -> memref<2048xf32, #tpu.memory_space<hbm>>
    tpu.wait_dma2 semaphore(%arg14 : memref<!tpu.dma_semaphore, #tpu.memory_space<semaphore_mem>>) src(%dma_wait3A_166 : memref<2048xf32, #tpu.memory_space<hbm>>) dst(%dma_wait3A_164 : memref<2048xf32, #tpu.memory_space<vmem>>)
    %dma_wait3A_167 = arith.constant 6 : i32
    %dma_wait3A_168 = arith.constant 6 : i32
    %dma_wait3A_169 = arith.constant 0 : i32
    %dma_wait3A_170 = tpu.memref_slice %arg7[%dma_wait3A_168, %dma_wait3A_169] : memref<8x2048xf32, #tpu.memory_space<vmem>> -> memref<1x2048xf32, #tpu.memory_space<vmem>>
    %dma_wait3A_171 = tpu.memref_squeeze %dma_wait3A_170 : memref<1x2048xf32, #tpu.memory_space<vmem>> -> memref<2048xf32, #tpu.memory_space<vmem>>
    %dma_wait3A_172 = tpu.memref_slice %arg2[%dma_wait3A_167, %mul3A_0] : memref<8x32768xf32, #tpu.memory_space<hbm>> -> memref<1x2048xf32, #tpu.memory_space<hbm>>
    %dma_wait3A_173 = tpu.memref_squeeze %dma_wait3A_172 : memref<1x2048xf32, #tpu.memory_space<hbm>> -> memref<2048xf32, #tpu.memory_space<hbm>>
    %dma_wait3A_174 = arith.constant 0 : i32
    %dma_wait3A_175 = tpu.memref_slice %arg7[%dma_wait3A_168, %dma_wait3A_174] : memref<8x2048xf32, #tpu.memory_space<vmem>> -> memref<1x2048xf32, #tpu.memory_space<vmem>>
    %dma_wait3A_176 = tpu.memref_squeeze %dma_wait3A_175 : memref<1x2048xf32, #tpu.memory_space<vmem>> -> memref<2048xf32, #tpu.memory_space<vmem>>
    %dma_wait3A_177 = tpu.memref_slice %arg2[%dma_wait3A_167, %mul3A_0] : memref<8x32768xf32, #tpu.memory_space<hbm>> -> memref<1x2048xf32, #tpu.memory_space<hbm>>
    %dma_wait3A_178 = tpu.memref_squeeze %dma_wait3A_177 : memref<1x2048xf32, #tpu.memory_space<hbm>> -> memref<2048xf32, #tpu.memory_space<hbm>>
    tpu.wait_dma2 semaphore(%arg14 : memref<!tpu.dma_semaphore, #tpu.memory_space<semaphore_mem>>) src(%dma_wait3A_178 : memref<2048xf32, #tpu.memory_space<hbm>>) dst(%dma_wait3A_176 : memref<2048xf32, #tpu.memory_space<vmem>>)
    %dma_wait3A_179 = arith.constant 7 : i32
    %dma_wait3A_180 = arith.constant 7 : i32
    %dma_wait3A_181 = arith.constant 0 : i32
    %dma_wait3A_182 = tpu.memref_slice %arg7[%dma_wait3A_180, %dma_wait3A_181] : memref<8x2048xf32, #tpu.memory_space<vmem>> -> memref<1x2048xf32, #tpu.memory_space<vmem>>
    %dma_wait3A_183 = tpu.memref_squeeze %dma_wait3A_182 : memref<1x2048xf32, #tpu.memory_space<vmem>> -> memref<2048xf32, #tpu.memory_space<vmem>>
    %dma_wait3A_184 = tpu.memref_slice %arg2[%dma_wait3A_179, %mul3A_0] : memref<8x32768xf32, #tpu.memory_space<hbm>> -> memref<1x2048xf32, #tpu.memory_space<hbm>>
    %dma_wait3A_185 = tpu.memref_squeeze %dma_wait3A_184 : memref<1x2048xf32, #tpu.memory_space<hbm>> -> memref<2048xf32, #tpu.memory_space<hbm>>
    %dma_wait3A_186 = arith.constant 0 : i32
    %dma_wait3A_187 = tpu.memref_slice %arg7[%dma_wait3A_180, %dma_wait3A_186] : memref<8x2048xf32, #tpu.memory_space<vmem>> -> memref<1x2048xf32, #tpu.memory_space<vmem>>
    %dma_wait3A_188 = tpu.memref_squeeze %dma_wait3A_187 : memref<1x2048xf32, #tpu.memory_space<vmem>> -> memref<2048xf32, #tpu.memory_space<vmem>>
    %dma_wait3A_189 = tpu.memref_slice %arg2[%dma_wait3A_179, %mul3A_0] : memref<8x32768xf32, #tpu.memory_space<hbm>> -> memref<1x2048xf32, #tpu.memory_space<hbm>>
    %dma_wait3A_190 = tpu.memref_squeeze %dma_wait3A_189 : memref<1x2048xf32, #tpu.memory_space<hbm>> -> memref<2048xf32, #tpu.memory_space<hbm>>
    tpu.wait_dma2 semaphore(%arg14 : memref<!tpu.dma_semaphore, #tpu.memory_space<semaphore_mem>>) src(%dma_wait3A_190 : memref<2048xf32, #tpu.memory_space<hbm>>) dst(%dma_wait3A_188 : memref<2048xf32, #tpu.memory_space<vmem>>)
    tpu.wait_dma2 semaphore(%arg14 : memref<!tpu.dma_semaphore, #tpu.memory_space<semaphore_mem>>) src(%arg3 : memref<16xf32, #tpu.memory_space<hbm>>) dst(%arg8 : memref<16xf32, #tpu.memory_space<vmem>>)
    %get3A = arith.constant 0 : index
    %get3A_191 = tpu.vector_load %arg8[%get3A] {strides = array<i32>} : memref<16xf32, #tpu.memory_space<vmem>>, vector<16xf32>,
    %slice3A = vector.extract_strided_slice %get3A_191 {offsets = [0], sizes = [1], strides = [1]} : vector<16xf32> to vector<1xf32>
    %squeeze3A = vector.extract %slice3A[0] : f32 from vector<1xf32>
    %slice3A_192 = vector.extract_strided_slice %get3A_191 {offsets = [1], sizes = [1], strides = [1]} : vector<16xf32> to vector<1xf32>
    %squeeze3A_193 = vector.extract %slice3A_192[0] : f32 from vector<1xf32>
    %slice3A_194 = vector.extract_strided_slice %get3A_191 {offsets = [2], sizes = [1], strides = [1]} : vector<16xf32> to vector<1xf32>
    %squeeze3A_195 = vector.extract %slice3A_194[0] : f32 from vector<1xf32>
    %slice3A_196 = vector.extract_strided_slice %get3A_191 {offsets = [3], sizes = [1], strides = [1]} : vector<16xf32> to vector<1xf32>
    %squeeze3A_197 = vector.extract %slice3A_196[0] : f32 from vector<1xf32>
    %slice3A_198 = vector.extract_strided_slice %get3A_191 {offsets = [4], sizes = [1], strides = [1]} : vector<16xf32> to vector<1xf32>
    %squeeze3A_199 = vector.extract %slice3A_198[0] : f32 from vector<1xf32>
    %slice3A_200 = vector.extract_strided_slice %get3A_191 {offsets = [5], sizes = [1], strides = [1]} : vector<16xf32> to vector<1xf32>
    %squeeze3A_201 = vector.extract %slice3A_200[0] : f32 from vector<1xf32>
    %slice3A_202 = vector.extract_strided_slice %get3A_191 {offsets = [6], sizes = [1], strides = [1]} : vector<16xf32> to vector<1xf32>
    %squeeze3A_203 = vector.extract %slice3A_202[0] : f32 from vector<1xf32>
    %slice3A_204 = vector.extract_strided_slice %get3A_191 {offsets = [7], sizes = [1], strides = [1]} : vector<16xf32> to vector<1xf32>
    %squeeze3A_205 = vector.extract %slice3A_204[0] : f32 from vector<1xf32>
    %iota3A = tpu.iota {dimensions = array<i32: 0>} : vector<16xi32>
    %broadcast_in_dim3A = arith.constant 0.000000e+00 : f32
    %broadcast_in_dim3A_206 = vector.broadcast %broadcast_in_dim3A : f32 to vector<16xf32>
    %broadcast_in_dim3A_207 = arith.constant 1.000000e+00 : f32
    %broadcast_in_dim3A_208 = vector.broadcast %broadcast_in_dim3A_207 : f32 to vector<16xf32>
    %scan3A = arith.constant 0 : i32
    %scan3A_209 = arith.constant 128 : i32
    %scan3A_210 = arith.addi %scan3A, %scan3A_209 : i32
    %scan3A_211 = arith.constant 1 : i32
    %scan3A_212:16 = scf.for %scan3A_465 = %scan3A to %scan3A_210 step %scan3A_211 iter_args(%scan3A_466 = %broadcast_in_dim3A_206, %scan3A_467 = %broadcast_in_dim3A_206, %scan3A_468 = %broadcast_in_dim3A_206, %scan3A_469 = %broadcast_in_dim3A_206, %scan3A_470 = %broadcast_in_dim3A_206, %scan3A_471 = %broadcast_in_dim3A_206, %scan3A_472 = %broadcast_in_dim3A_206, %scan3A_473 = %broadcast_in_dim3A_206, %scan3A_474 = %broadcast_in_dim3A_206, %scan3A_475 = %broadcast_in_dim3A_206, %scan3A_476 = %broadcast_in_dim3A_206, %scan3A_477 = %broadcast_in_dim3A_206, %scan3A_478 = %broadcast_in_dim3A_206, %scan3A_479 = %broadcast_in_dim3A_206, %scan3A_480 = %broadcast_in_dim3A_206, %scan3A_481 = %broadcast_in_dim3A_206) -> (vector<16xf32>, vector<16xf32>, vector<16xf32>, vector<16xf32>, vector<16xf32>, vector<16xf32>, vector<16xf32>, vector<16xf32>, vector<16xf32>, vector<16xf32>, vector<16xf32>, vector<16xf32>, vector<16xf32>, vector<16xf32>, vector<16xf32>, vector<16xf32>)  : i32 {
      %mul3A_482 = arith.constant 16 : i32
      %mul3A_483 = arith.muli %scan3A_465, %mul3A_482 : i32
      %multiple_of3A = tpu.assume_multiple %mul3A_483, 16 : i32
      %get3A_484 = arith.constant 0 : i32
      %get3A_485 = arith.index_cast %get3A_484 : i32 to index
      %get3A_486 = arith.index_cast %multiple_of3A : i32 to index
      %get3A_487 = tpu.vector_load %arg7[%get3A_485, %get3A_486] {strides = array<i32>} : memref<8x2048xf32, #tpu.memory_space<vmem>>, vector<16xf32>,
      %get3A_488 = arith.constant 1 : i32
      %get3A_489 = arith.index_cast %get3A_488 : i32 to index
      %get3A_490 = arith.index_cast %multiple_of3A : i32 to index
      %get3A_491 = tpu.vector_load %arg7[%get3A_489, %get3A_490] {strides = array<i32>} : memref<8x2048xf32, #tpu.memory_space<vmem>>, vector<16xf32>,
      %get3A_492 = arith.constant 2 : i32
      %get3A_493 = arith.index_cast %get3A_492 : i32 to index
      %get3A_494 = arith.index_cast %multiple_of3A : i32 to index
      %get3A_495 = tpu.vector_load %arg7[%get3A_493, %get3A_494] {strides = array<i32>} : memref<8x2048xf32, #tpu.memory_space<vmem>>, vector<16xf32>,
      %get3A_496 = arith.constant 3 : i32
      %get3A_497 = arith.index_cast %get3A_496 : i32 to index
      %get3A_498 = arith.index_cast %multiple_of3A : i32 to index
      %get3A_499 = tpu.vector_load %arg7[%get3A_497, %get3A_498] {strides = array<i32>} : memref<8x2048xf32, #tpu.memory_space<vmem>>, vector<16xf32>,
      %get3A_500 = arith.constant 4 : i32
      %get3A_501 = arith.index_cast %get3A_500 : i32 to index
      %get3A_502 = arith.index_cast %multiple_of3A : i32 to index
      %get3A_503 = tpu.vector_load %arg7[%get3A_501, %get3A_502] {strides = array<i32>} : memref<8x2048xf32, #tpu.memory_space<vmem>>, vector<16xf32>,
      %get3A_504 = arith.constant 5 : i32
      %get3A_505 = arith.index_cast %get3A_504 : i32 to index
      %get3A_506 = arith.index_cast %multiple_of3A : i32 to index
      %get3A_507 = tpu.vector_load %arg7[%get3A_505, %get3A_506] {strides = array<i32>} : memref<8x2048xf32, #tpu.memory_space<vmem>>, vector<16xf32>,
      %get3A_508 = arith.constant 6 : i32
      %get3A_509 = arith.index_cast %get3A_508 : i32 to index
      %get3A_510 = arith.index_cast %multiple_of3A : i32 to index
      %get3A_511 = tpu.vector_load %arg7[%get3A_509, %get3A_510] {strides = array<i32>} : memref<8x2048xf32, #tpu.memory_space<vmem>>, vector<16xf32>,
      %get3A_512 = arith.constant 7 : i32
      %get3A_513 = arith.index_cast %get3A_512 : i32 to index
      %get3A_514 = arith.index_cast %multiple_of3A : i32 to index
      %get3A_515 = tpu.vector_load %arg7[%get3A_513, %get3A_514] {strides = array<i32>} : memref<8x2048xf32, #tpu.memory_space<vmem>>, vector<16xf32>,
      %neg3A = arith.constant 0.000000e+00 : f32
      %neg3A_516 = vector.broadcast %neg3A : f32 to vector<16xf32>
      %neg3A_517 = arith.subf %neg3A_516, %get3A_487 : vector<16xf32>
      %exp3A = math.exp %neg3A_517 : vector<16xf32>
      %add3A = arith.constant 1.000000e+00 : f32
      %add3A_518 = vector.broadcast %add3A : f32 to vector<16xf32>
      %add3A_519 = arith.addf %add3A_518, %exp3A : vector<16xf32>
      %div3A = arith.constant 1.000000e+00 : f32
      %div3A_520 = vector.broadcast %div3A : f32 to vector<16xf32>
      %div3A_521 = arith.divf %div3A_520, %add3A_519 : vector<16xf32>
      %neg3A_522 = arith.constant 0.000000e+00 : f32
      %neg3A_523 = vector.broadcast %neg3A_522 : f32 to vector<16xf32>
      %neg3A_524 = arith.subf %neg3A_523, %get3A_491 : vector<16xf32>
      %exp3A_525 = math.exp %neg3A_524 : vector<16xf32>
      %add3A_526 = arith.constant 1.000000e+00 : f32
      %add3A_527 = vector.broadcast %add3A_526 : f32 to vector<16xf32>
      %add3A_528 = arith.addf %add3A_527, %exp3A_525 : vector<16xf32>
      %div3A_529 = arith.constant 1.000000e+00 : f32
      %div3A_530 = vector.broadcast %div3A_529 : f32 to vector<16xf32>
      %div3A_531 = arith.divf %div3A_530, %add3A_528 : vector<16xf32>
      %neg3A_532 = arith.constant 0.000000e+00 : f32
      %neg3A_533 = vector.broadcast %neg3A_532 : f32 to vector<16xf32>
      %neg3A_534 = arith.subf %neg3A_533, %get3A_495 : vector<16xf32>
      %exp3A_535 = math.exp %neg3A_534 : vector<16xf32>
      %add3A_536 = arith.constant 1.000000e+00 : f32
      %add3A_537 = vector.broadcast %add3A_536 : f32 to vector<16xf32>
      %add3A_538 = arith.addf %add3A_537, %exp3A_535 : vector<16xf32>
      %div3A_539 = arith.constant 1.000000e+00 : f32
      %div3A_540 = vector.broadcast %div3A_539 : f32 to vector<16xf32>
      %div3A_541 = arith.divf %div3A_540, %add3A_538 : vector<16xf32>
      %neg3A_542 = arith.constant 0.000000e+00 : f32
      %neg3A_543 = vector.broadcast %neg3A_542 : f32 to vector<16xf32>
      %neg3A_544 = arith.subf %neg3A_543, %get3A_499 : vector<16xf32>
      %exp3A_545 = math.exp %neg3A_544 : vector<16xf32>
      %add3A_546 = arith.constant 1.000000e+00 : f32
      %add3A_547 = vector.broadcast %add3A_546 : f32 to vector<16xf32>
      %add3A_548 = arith.addf %add3A_547, %exp3A_545 : vector<16xf32>
      %div3A_549 = arith.constant 1.000000e+00 : f32
      %div3A_550 = vector.broadcast %div3A_549 : f32 to vector<16xf32>
      %div3A_551 = arith.divf %div3A_550, %add3A_548 : vector<16xf32>
      %neg3A_552 = arith.constant 0.000000e+00 : f32
      %neg3A_553 = vector.broadcast %neg3A_552 : f32 to vector<16xf32>
      %neg3A_554 = arith.subf %neg3A_553, %get3A_503 : vector<16xf32>
      %exp3A_555 = math.exp %neg3A_554 : vector<16xf32>
      %add3A_556 = arith.constant 1.000000e+00 : f32
      %add3A_557 = vector.broadcast %add3A_556 : f32 to vector<16xf32>
      %add3A_558 = arith.addf %add3A_557, %exp3A_555 : vector<16xf32>
      %div3A_559 = arith.constant 1.000000e+00 : f32
      %div3A_560 = vector.broadcast %div3A_559 : f32 to vector<16xf32>
      %div3A_561 = arith.divf %div3A_560, %add3A_558 : vector<16xf32>
      %neg3A_562 = arith.constant 0.000000e+00 : f32
      %neg3A_563 = vector.broadcast %neg3A_562 : f32 to vector<16xf32>
      %neg3A_564 = arith.subf %neg3A_563, %get3A_507 : vector<16xf32>
      %exp3A_565 = math.exp %neg3A_564 : vector<16xf32>
      %add3A_566 = arith.constant 1.000000e+00 : f32
      %add3A_567 = vector.broadcast %add3A_566 : f32 to vector<16xf32>
      %add3A_568 = arith.addf %add3A_567, %exp3A_565 : vector<16xf32>
      %div3A_569 = arith.constant 1.000000e+00 : f32
      %div3A_570 = vector.broadcast %div3A_569 : f32 to vector<16xf32>
      %div3A_571 = arith.divf %div3A_570, %add3A_568 : vector<16xf32>
      %neg3A_572 = arith.constant 0.000000e+00 : f32
      %neg3A_573 = vector.broadcast %neg3A_572 : f32 to vector<16xf32>
      %neg3A_574 = arith.subf %neg3A_573, %get3A_511 : vector<16xf32>
      %exp3A_575 = math.exp %neg3A_574 : vector<16xf32>
      %add3A_576 = arith.constant 1.000000e+00 : f32
      %add3A_577 = vector.broadcast %add3A_576 : f32 to vector<16xf32>
      %add3A_578 = arith.addf %add3A_577, %exp3A_575 : vector<16xf32>
      %div3A_579 = arith.constant 1.000000e+00 : f32
      %div3A_580 = vector.broadcast %div3A_579 : f32 to vector<16xf32>
      %div3A_581 = arith.divf %div3A_580, %add3A_578 : vector<16xf32>
      %neg3A_582 = arith.constant 0.000000e+00 : f32
      %neg3A_583 = vector.broadcast %neg3A_582 : f32 to vector<16xf32>
      %neg3A_584 = arith.subf %neg3A_583, %get3A_515 : vector<16xf32>
      %exp3A_585 = math.exp %neg3A_584 : vector<16xf32>
      %add3A_586 = arith.constant 1.000000e+00 : f32
      %add3A_587 = vector.broadcast %add3A_586 : f32 to vector<16xf32>
      %add3A_588 = arith.addf %add3A_587, %exp3A_585 : vector<16xf32>
      %div3A_589 = arith.constant 1.000000e+00 : f32
      %div3A_590 = vector.broadcast %div3A_589 : f32 to vector<16xf32>
      %div3A_591 = arith.divf %div3A_590, %add3A_588 : vector<16xf32>
      %add3A_592 = vector.broadcast %squeeze3A : f32 to vector<16xf32>
      %add3A_593 = arith.addf %get3A_487, %add3A_592 : vector<16xf32>
      %add3A_594 = vector.broadcast %squeeze3A_193 : f32 to vector<16xf32>
      %add3A_595 = arith.addf %get3A_491, %add3A_594 : vector<16xf32>
      %add3A_596 = vector.broadcast %squeeze3A_195 : f32 to vector<16xf32>
      %add3A_597 = arith.addf %get3A_495, %add3A_596 : vector<16xf32>
      %add3A_598 = vector.broadcast %squeeze3A_197 : f32 to vector<16xf32>
      %add3A_599 = arith.addf %get3A_499, %add3A_598 : vector<16xf32>
      %add3A_600 = vector.broadcast %squeeze3A_199 : f32 to vector<16xf32>
      %add3A_601 = arith.addf %get3A_503, %add3A_600 : vector<16xf32>
      %add3A_602 = vector.broadcast %squeeze3A_201 : f32 to vector<16xf32>
      %add3A_603 = arith.addf %get3A_507, %add3A_602 : vector<16xf32>
      %add3A_604 = vector.broadcast %squeeze3A_203 : f32 to vector<16xf32>
      %add3A_605 = arith.addf %get3A_511, %add3A_604 : vector<16xf32>
      %add3A_606 = vector.broadcast %squeeze3A_205 : f32 to vector<16xf32>
      %add3A_607 = arith.addf %get3A_515, %add3A_606 : vector<16xf32>
      %broadcast_in_dim3A_608 = arith.constant 0 : i32
      %broadcast_in_dim3A_609 = vector.broadcast %broadcast_in_dim3A_608 : i32 to vector<16xi32>
      %broadcast_in_dim3A_610 = arith.constant 0xFF800000 : f32
      %broadcast_in_dim3A_611 = vector.broadcast %broadcast_in_dim3A_610 : f32 to vector<16xf32>
      %broadcast_in_dim3A_612 = arith.constant 0 : i32
      %broadcast_in_dim3A_613 = vector.broadcast %broadcast_in_dim3A_612 : i32 to vector<16xi32>
      %broadcast_in_dim3A_614 = arith.constant 1 : i32
      %broadcast_in_dim3A_615 = vector.broadcast %broadcast_in_dim3A_614 : i32 to vector<16xi32>
      %gt3A = arith.cmpf ogt, %add3A_595, %add3A_593 : vector<16xf32>
      %gt3A_616 = arith.cmpf ogt, %add3A_595, %broadcast_in_dim3A_611 : vector<16xf32>
      %select_n3A_617 = arith.select %gt3A_616, %add3A_595, %broadcast_in_dim3A_611 : vector<16xi1>, vector<16xf32>
      %select_n3A_618 = arith.select %gt3A, %add3A_593, %select_n3A_617 : vector<16xi1>, vector<16xf32>
      %select_n3A_619 = arith.select %gt3A_616, %broadcast_in_dim3A_615, %broadcast_in_dim3A_613 : vector<16xi1>, vector<16xi32>
      %select_n3A_620 = arith.select %gt3A, %broadcast_in_dim3A_609, %select_n3A_619 : vector<16xi1>, vector<16xi32>
      %select_n3A_621 = arith.select %gt3A_616, %div3A_531, %broadcast_in_dim3A_206 : vector<16xi1>, vector<16xf32>
      %select_n3A_622 = arith.select %gt3A, %div3A_521, %select_n3A_621 : vector<16xi1>, vector<16xf32>
      %select_n3A_623 = arith.select %gt3A, %add3A_595, %add3A_593 : vector<16xi1>, vector<16xf32>
      %select_n3A_624 = arith.select %gt3A, %broadcast_in_dim3A_615, %broadcast_in_dim3A_609 : vector<16xi1>, vector<16xi32>
      %select_n3A_625 = arith.select %gt3A, %div3A_531, %div3A_521 : vector<16xi1>, vector<16xf32>
      %broadcast_in_dim3A_626 = arith.constant 2 : i32
      %broadcast_in_dim3A_627 = vector.broadcast %broadcast_in_dim3A_626 : i32 to vector<16xi32>
      %gt3A_628 = arith.cmpf ogt, %add3A_597, %select_n3A_623 : vector<16xf32>
      %gt3A_629 = arith.cmpf ogt, %add3A_597, %select_n3A_618 : vector<16xf32>
      %select_n3A_630 = arith.select %gt3A_629, %add3A_597, %select_n3A_618 : vector<16xi1>, vector<16xf32>
      %select_n3A_631 = arith.select %gt3A_628, %select_n3A_623, %select_n3A_630 : vector<16xi1>, vector<16xf32>
      %select_n3A_632 = arith.select %gt3A_629, %broadcast_in_dim3A_627, %select_n3A_620 : vector<16xi1>, vector<16xi32>
      %select_n3A_633 = arith.select %gt3A_628, %select_n3A_624, %select_n3A_632 : vector<16xi1>, vector<16xi32>
      %select_n3A_634 = arith.select %gt3A_629, %div3A_541, %select_n3A_622 : vector<16xi1>, vector<16xf32>
      %select_n3A_635 = arith.select %gt3A_628, %select_n3A_625, %select_n3A_634 : vector<16xi1>, vector<16xf32>
      %select_n3A_636 = arith.select %gt3A_628, %add3A_597, %select_n3A_623 : vector<16xi1>, vector<16xf32>
      %select_n3A_637 = arith.select %gt3A_628, %broadcast_in_dim3A_627, %select_n3A_624 : vector<16xi1>, vector<16xi32>
      %select_n3A_638 = arith.select %gt3A_628, %div3A_541, %select_n3A_625 : vector<16xi1>, vector<16xf32>
      %broadcast_in_dim3A_639 = arith.constant 3 : i32
      %broadcast_in_dim3A_640 = vector.broadcast %broadcast_in_dim3A_639 : i32 to vector<16xi32>
      %gt3A_641 = arith.cmpf ogt, %add3A_599, %select_n3A_636 : vector<16xf32>
      %gt3A_642 = arith.cmpf ogt, %add3A_599, %select_n3A_631 : vector<16xf32>
      %select_n3A_643 = arith.select %gt3A_642, %add3A_599, %select_n3A_631 : vector<16xi1>, vector<16xf32>
      %select_n3A_644 = arith.select %gt3A_641, %select_n3A_636, %select_n3A_643 : vector<16xi1>, vector<16xf32>
      %select_n3A_645 = arith.select %gt3A_642, %broadcast_in_dim3A_640, %select_n3A_633 : vector<16xi1>, vector<16xi32>
      %select_n3A_646 = arith.select %gt3A_641, %select_n3A_637, %select_n3A_645 : vector<16xi1>, vector<16xi32>
      %select_n3A_647 = arith.select %gt3A_642, %div3A_551, %select_n3A_635 : vector<16xi1>, vector<16xf32>
      %select_n3A_648 = arith.select %gt3A_641, %select_n3A_638, %select_n3A_647 : vector<16xi1>, vector<16xf32>
      %select_n3A_649 = arith.select %gt3A_641, %add3A_599, %select_n3A_636 : vector<16xi1>, vector<16xf32>
      %select_n3A_650 = arith.select %gt3A_641, %broadcast_in_dim3A_640, %select_n3A_637 : vector<16xi1>, vector<16xi32>
      %select_n3A_651 = arith.select %gt3A_641, %div3A_551, %select_n3A_638 : vector<16xi1>, vector<16xf32>
      %broadcast_in_dim3A_652 = arith.constant 4 : i32
      %broadcast_in_dim3A_653 = vector.broadcast %broadcast_in_dim3A_652 : i32 to vector<16xi32>
      %gt3A_654 = arith.cmpf ogt, %add3A_601, %select_n3A_649 : vector<16xf32>
      %gt3A_655 = arith.cmpf ogt, %add3A_601, %select_n3A_644 : vector<16xf32>
      %select_n3A_656 = arith.select %gt3A_655, %add3A_601, %select_n3A_644 : vector<16xi1>, vector<16xf32>
      %select_n3A_657 = arith.select %gt3A_654, %select_n3A_649, %select_n3A_656 : vector<16xi1>, vector<16xf32>
      %select_n3A_658 = arith.select %gt3A_655, %broadcast_in_dim3A_653, %select_n3A_646 : vector<16xi1>, vector<16xi32>
      %select_n3A_659 = arith.select %gt3A_654, %select_n3A_650, %select_n3A_658 : vector<16xi1>, vector<16xi32>
      %select_n3A_660 = arith.select %gt3A_655, %div3A_561, %select_n3A_648 : vector<16xi1>, vector<16xf32>
      %select_n3A_661 = arith.select %gt3A_654, %select_n3A_651, %select_n3A_660 : vector<16xi1>, vector<16xf32>
      %select_n3A_662 = arith.select %gt3A_654, %add3A_601, %select_n3A_649 : vector<16xi1>, vector<16xf32>
      %select_n3A_663 = arith.select %gt3A_654, %broadcast_in_dim3A_653, %select_n3A_650 : vector<16xi1>, vector<16xi32>
      %select_n3A_664 = arith.select %gt3A_654, %div3A_561, %select_n3A_651 : vector<16xi1>, vector<16xf32>
      %broadcast_in_dim3A_665 = arith.constant 5 : i32
      %broadcast_in_dim3A_666 = vector.broadcast %broadcast_in_dim3A_665 : i32 to vector<16xi32>
      %gt3A_667 = arith.cmpf ogt, %add3A_603, %select_n3A_662 : vector<16xf32>
      %gt3A_668 = arith.cmpf ogt, %add3A_603, %select_n3A_657 : vector<16xf32>
      %select_n3A_669 = arith.select %gt3A_668, %add3A_603, %select_n3A_657 : vector<16xi1>, vector<16xf32>
      %select_n3A_670 = arith.select %gt3A_667, %select_n3A_662, %select_n3A_669 : vector<16xi1>, vector<16xf32>
      %select_n3A_671 = arith.select %gt3A_668, %broadcast_in_dim3A_666, %select_n3A_659 : vector<16xi1>, vector<16xi32>
      %select_n3A_672 = arith.select %gt3A_667, %select_n3A_663, %select_n3A_671 : vector<16xi1>, vector<16xi32>
      %select_n3A_673 = arith.select %gt3A_668, %div3A_571, %select_n3A_661 : vector<16xi1>, vector<16xf32>
      %select_n3A_674 = arith.select %gt3A_667, %select_n3A_664, %select_n3A_673 : vector<16xi1>, vector<16xf32>
      %select_n3A_675 = arith.select %gt3A_667, %add3A_603, %select_n3A_662 : vector<16xi1>, vector<16xf32>
      %select_n3A_676 = arith.select %gt3A_667, %broadcast_in_dim3A_666, %select_n3A_663 : vector<16xi1>, vector<16xi32>
      %select_n3A_677 = arith.select %gt3A_667, %div3A_571, %select_n3A_664 : vector<16xi1>, vector<16xf32>
      %broadcast_in_dim3A_678 = arith.constant 6 : i32
      %broadcast_in_dim3A_679 = vector.broadcast %broadcast_in_dim3A_678 : i32 to vector<16xi32>
      %gt3A_680 = arith.cmpf ogt, %add3A_605, %select_n3A_675 : vector<16xf32>
      %gt3A_681 = arith.cmpf ogt, %add3A_605, %select_n3A_670 : vector<16xf32>
      %select_n3A_682 = arith.select %gt3A_681, %add3A_605, %select_n3A_670 : vector<16xi1>, vector<16xf32>
      %select_n3A_683 = arith.select %gt3A_680, %select_n3A_675, %select_n3A_682 : vector<16xi1>, vector<16xf32>
      %select_n3A_684 = arith.select %gt3A_681, %broadcast_in_dim3A_679, %select_n3A_672 : vector<16xi1>, vector<16xi32>
      %select_n3A_685 = arith.select %gt3A_680, %select_n3A_676, %select_n3A_684 : vector<16xi1>, vector<16xi32>
      %select_n3A_686 = arith.select %gt3A_681, %div3A_581, %select_n3A_674 : vector<16xi1>, vector<16xf32>
      %select_n3A_687 = arith.select %gt3A_680, %select_n3A_677, %select_n3A_686 : vector<16xi1>, vector<16xf32>
      %select_n3A_688 = arith.select %gt3A_680, %add3A_605, %select_n3A_675 : vector<16xi1>, vector<16xf32>
      %select_n3A_689 = arith.select %gt3A_680, %broadcast_in_dim3A_679, %select_n3A_676 : vector<16xi1>, vector<16xi32>
      %select_n3A_690 = arith.select %gt3A_680, %div3A_581, %select_n3A_677 : vector<16xi1>, vector<16xf32>
      %broadcast_in_dim3A_691 = arith.constant 7 : i32
      %broadcast_in_dim3A_692 = vector.broadcast %broadcast_in_dim3A_691 : i32 to vector<16xi32>
      %gt3A_693 = arith.cmpf ogt, %add3A_607, %select_n3A_688 : vector<16xf32>
      %gt3A_694 = arith.cmpf ogt, %add3A_607, %select_n3A_683 : vector<16xf32>
      %select_n3A_695 = arith.select %gt3A_694, %add3A_607, %select_n3A_683 : vector<16xi1>, vector<16xf32>
      %select_n3A_696 = arith.select %gt3A_693, %select_n3A_688, %select_n3A_695 : vector<16xi1>, vector<16xf32>
      %select_n3A_697 = arith.select %gt3A_694, %broadcast_in_dim3A_692, %select_n3A_685 : vector<16xi1>, vector<16xi32>
      %select_n3A_698 = arith.select %gt3A_693, %select_n3A_689, %select_n3A_697 : vector<16xi1>, vector<16xi32>
      %select_n3A_699 = arith.select %gt3A_694, %div3A_591, %select_n3A_687 : vector<16xi1>, vector<16xf32>
      %select_n3A_700 = arith.select %gt3A_693, %select_n3A_690, %select_n3A_699 : vector<16xi1>, vector<16xf32>
      %select_n3A_701 = arith.select %gt3A_693, %add3A_607, %select_n3A_688 : vector<16xi1>, vector<16xf32>
      %select_n3A_702 = arith.select %gt3A_693, %broadcast_in_dim3A_692, %select_n3A_689 : vector<16xi1>, vector<16xi32>
      %select_n3A_703 = arith.select %gt3A_693, %div3A_591, %select_n3A_690 : vector<16xi1>, vector<16xf32>
      %add3A_704 = arith.addf %select_n3A_703, %select_n3A_700 : vector<16xf32>
      %add3A_705 = arith.constant 1.000000e-10 : f32
      %add3A_706 = vector.broadcast %add3A_705 : f32 to vector<16xf32>
      %add3A_707 = arith.addf %add3A_704, %add3A_706 : vector<16xf32>
      %div3A_708 = arith.divf %select_n3A_703, %add3A_707 : vector<16xf32>
      %div3A_709 = arith.divf %select_n3A_700, %add3A_707 : vector<16xf32>
      %add3A_710 = arith.addf %div3A_521, %div3A_531 : vector<16xf32>
      %add3A_711 = arith.addf %add3A_710, %div3A_541 : vector<16xf32>
      %add3A_712 = arith.addf %add3A_711, %div3A_551 : vector<16xf32>
      %add3A_713 = arith.addf %add3A_712, %div3A_561 : vector<16xf32>
      %add3A_714 = arith.addf %add3A_713, %div3A_571 : vector<16xf32>
      %add3A_715 = arith.addf %add3A_714, %div3A_581 : vector<16xf32>
      %add3A_716 = arith.addf %add3A_715, %div3A_591 : vector<16xf32>
      %add3A_717 = arith.constant 1.000000e-10 : f32
      %add3A_718 = vector.broadcast %add3A_717 : f32 to vector<16xf32>
      %add3A_719 = arith.addf %add3A_716, %add3A_718 : vector<16xf32>
      %div3A_720 = arith.constant 1.000000e+00 : f32
      %div3A_721 = vector.broadcast %div3A_720 : f32 to vector<16xf32>
      %div3A_722 = arith.divf %div3A_721, %add3A_719 : vector<16xf32>
      %broadcast_in_dim3A_723 = arith.constant 0 : i32
      %broadcast_in_dim3A_724 = vector.broadcast %broadcast_in_dim3A_723 : i32 to vector<16xi32>
      %eq3A_725 = arith.cmpi eq, %select_n3A_702, %broadcast_in_dim3A_724 : vector<16xi32>
      %select_n3A_726 = arith.select %eq3A_725, %broadcast_in_dim3A_208, %broadcast_in_dim3A_206 : vector<16xi1>, vector<16xf32>
      %eq3A_727 = arith.cmpi eq, %select_n3A_698, %broadcast_in_dim3A_724 : vector<16xi32>
      %select_n3A_728 = arith.select %eq3A_727, %broadcast_in_dim3A_208, %broadcast_in_dim3A_206 : vector<16xi1>, vector<16xf32>
      %add3A_729 = arith.addf %select_n3A_726, %select_n3A_728 : vector<16xf32>
      %add3A_730 = arith.addf %scan3A_466, %add3A_729 : vector<16xf32>
      %mul3A_731 = arith.mulf %div3A_521, %div3A_722 : vector<16xf32>
      %add3A_732 = arith.addf %scan3A_474, %mul3A_731 : vector<16xf32>
      %broadcast_in_dim3A_733 = arith.constant 1 : i32
      %broadcast_in_dim3A_734 = vector.broadcast %broadcast_in_dim3A_733 : i32 to vector<16xi32>
      %eq3A_735 = arith.cmpi eq, %select_n3A_702, %broadcast_in_dim3A_734 : vector<16xi32>
      %select_n3A_736 = arith.select %eq3A_735, %broadcast_in_dim3A_208, %broadcast_in_dim3A_206 : vector<16xi1>, vector<16xf32>
      %eq3A_737 = arith.cmpi eq, %select_n3A_698, %broadcast_in_dim3A_734 : vector<16xi32>
      %select_n3A_738 = arith.select %eq3A_737, %broadcast_in_dim3A_208, %broadcast_in_dim3A_206 : vector<16xi1>, vector<16xf32>
      %add3A_739 = arith.addf %select_n3A_736, %select_n3A_738 : vector<16xf32>
      %add3A_740 = arith.addf %scan3A_467, %add3A_739 : vector<16xf32>
      %mul3A_741 = arith.mulf %div3A_531, %div3A_722 : vector<16xf32>
      %add3A_742 = arith.addf %scan3A_475, %mul3A_741 : vector<16xf32>
      %broadcast_in_dim3A_743 = arith.constant 2 : i32
      %broadcast_in_dim3A_744 = vector.broadcast %broadcast_in_dim3A_743 : i32 to vector<16xi32>
      %eq3A_745 = arith.cmpi eq, %select_n3A_702, %broadcast_in_dim3A_744 : vector<16xi32>
      %select_n3A_746 = arith.select %eq3A_745, %broadcast_in_dim3A_208, %broadcast_in_dim3A_206 : vector<16xi1>, vector<16xf32>
      %eq3A_747 = arith.cmpi eq, %select_n3A_698, %broadcast_in_dim3A_744 : vector<16xi32>
      %select_n3A_748 = arith.select %eq3A_747, %broadcast_in_dim3A_208, %broadcast_in_dim3A_206 : vector<16xi1>, vector<16xf32>
      %add3A_749 = arith.addf %select_n3A_746, %select_n3A_748 : vector<16xf32>
      %add3A_750 = arith.addf %scan3A_468, %add3A_749 : vector<16xf32>
      %mul3A_751 = arith.mulf %div3A_541, %div3A_722 : vector<16xf32>
      %add3A_752 = arith.addf %scan3A_476, %mul3A_751 : vector<16xf32>
      %broadcast_in_dim3A_753 = arith.constant 3 : i32
      %broadcast_in_dim3A_754 = vector.broadcast %broadcast_in_dim3A_753 : i32 to vector<16xi32>
      %eq3A_755 = arith.cmpi eq, %select_n3A_702, %broadcast_in_dim3A_754 : vector<16xi32>
      %select_n3A_756 = arith.select %eq3A_755, %broadcast_in_dim3A_208, %broadcast_in_dim3A_206 : vector<16xi1>, vector<16xf32>
      %eq3A_757 = arith.cmpi eq, %select_n3A_698, %broadcast_in_dim3A_754 : vector<16xi32>
      %select_n3A_758 = arith.select %eq3A_757, %broadcast_in_dim3A_208, %broadcast_in_dim3A_206 : vector<16xi1>, vector<16xf32>
      %add3A_759 = arith.addf %select_n3A_756, %select_n3A_758 : vector<16xf32>
      %add3A_760 = arith.addf %scan3A_469, %add3A_759 : vector<16xf32>
      %mul3A_761 = arith.mulf %div3A_551, %div3A_722 : vector<16xf32>
      %add3A_762 = arith.addf %scan3A_477, %mul3A_761 : vector<16xf32>
      %broadcast_in_dim3A_763 = arith.constant 4 : i32
      %broadcast_in_dim3A_764 = vector.broadcast %broadcast_in_dim3A_763 : i32 to vector<16xi32>
      %eq3A_765 = arith.cmpi eq, %select_n3A_702, %broadcast_in_dim3A_764 : vector<16xi32>
      %select_n3A_766 = arith.select %eq3A_765, %broadcast_in_dim3A_208, %broadcast_in_dim3A_206 : vector<16xi1>, vector<16xf32>
      %eq3A_767 = arith.cmpi eq, %select_n3A_698, %broadcast_in_dim3A_764 : vector<16xi32>
      %select_n3A_768 = arith.select %eq3A_767, %broadcast_in_dim3A_208, %broadcast_in_dim3A_206 : vector<16xi1>, vector<16xf32>
      %add3A_769 = arith.addf %select_n3A_766, %select_n3A_768 : vector<16xf32>
      %add3A_770 = arith.addf %scan3A_470, %add3A_769 : vector<16xf32>
      %mul3A_771 = arith.mulf %div3A_561, %div3A_722 : vector<16xf32>
      %add3A_772 = arith.addf %scan3A_478, %mul3A_771 : vector<16xf32>
      %broadcast_in_dim3A_773 = arith.constant 5 : i32
      %broadcast_in_dim3A_774 = vector.broadcast %broadcast_in_dim3A_773 : i32 to vector<16xi32>
      %eq3A_775 = arith.cmpi eq, %select_n3A_702, %broadcast_in_dim3A_774 : vector<16xi32>
      %select_n3A_776 = arith.select %eq3A_775, %broadcast_in_dim3A_208, %broadcast_in_dim3A_206 : vector<16xi1>, vector<16xf32>
      %eq3A_777 = arith.cmpi eq, %select_n3A_698, %broadcast_in_dim3A_774 : vector<16xi32>
      %select_n3A_778 = arith.select %eq3A_777, %broadcast_in_dim3A_208, %broadcast_in_dim3A_206 : vector<16xi1>, vector<16xf32>
      %add3A_779 = arith.addf %select_n3A_776, %select_n3A_778 : vector<16xf32>
      %add3A_780 = arith.addf %scan3A_471, %add3A_779 : vector<16xf32>
      %mul3A_781 = arith.mulf %div3A_571, %div3A_722 : vector<16xf32>
      %add3A_782 = arith.addf %scan3A_479, %mul3A_781 : vector<16xf32>
      %broadcast_in_dim3A_783 = arith.constant 6 : i32
      %broadcast_in_dim3A_784 = vector.broadcast %broadcast_in_dim3A_783 : i32 to vector<16xi32>
      %eq3A_785 = arith.cmpi eq, %select_n3A_702, %broadcast_in_dim3A_784 : vector<16xi32>
      %select_n3A_786 = arith.select %eq3A_785, %broadcast_in_dim3A_208, %broadcast_in_dim3A_206 : vector<16xi1>, vector<16xf32>
      %eq3A_787 = arith.cmpi eq, %select_n3A_698, %broadcast_in_dim3A_784 : vector<16xi32>
      %select_n3A_788 = arith.select %eq3A_787, %broadcast_in_dim3A_208, %broadcast_in_dim3A_206 : vector<16xi1>, vector<16xf32>
      %add3A_789 = arith.addf %select_n3A_786, %select_n3A_788 : vector<16xf32>
      %add3A_790 = arith.addf %scan3A_472, %add3A_789 : vector<16xf32>
      %mul3A_791 = arith.mulf %div3A_581, %div3A_722 : vector<16xf32>
      %add3A_792 = arith.addf %scan3A_480, %mul3A_791 : vector<16xf32>
      %broadcast_in_dim3A_793 = arith.constant 7 : i32
      %broadcast_in_dim3A_794 = vector.broadcast %broadcast_in_dim3A_793 : i32 to vector<16xi32>
      %eq3A_795 = arith.cmpi eq, %select_n3A_702, %broadcast_in_dim3A_794 : vector<16xi32>
      %select_n3A_796 = arith.select %eq3A_795, %broadcast_in_dim3A_208, %broadcast_in_dim3A_206 : vector<16xi1>, vector<16xf32>
      %eq3A_797 = arith.cmpi eq, %select_n3A_698, %broadcast_in_dim3A_794 : vector<16xi32>
      %select_n3A_798 = arith.select %eq3A_797, %broadcast_in_dim3A_208, %broadcast_in_dim3A_206 : vector<16xi1>, vector<16xf32>
      %add3A_799 = arith.addf %select_n3A_796, %select_n3A_798 : vector<16xf32>
      %add3A_800 = arith.addf %scan3A_473, %add3A_799 : vector<16xf32>
      %mul3A_801 = arith.mulf %div3A_591, %div3A_722 : vector<16xf32>
      %add3A_802 = arith.addf %scan3A_481, %mul3A_801 : vector<16xf32>
      %swap3A_803 = arith.constant 0 : i32
      %swap3A_804 = arith.index_cast %swap3A_803 : i32 to index
      %swap3A_805 = arith.index_cast %multiple_of3A : i32 to index
      %swap3A_806 = tpu.vector_load %arg9[%swap3A_804, %swap3A_805] {strides = array<i32>} : memref<2x2048xi32, #tpu.memory_space<vmem>>, vector<16xi32>,
      tpu.vector_store %arg9[%swap3A_804, %swap3A_805], %select_n3A_702 {strides = array<i32>} : memref<2x2048xi32, #tpu.memory_space<vmem>>, vector<16xi32>,
      %swap3A_807 = arith.constant 1 : i32
      %swap3A_808 = arith.index_cast %swap3A_807 : i32 to index
      %swap3A_809 = arith.index_cast %multiple_of3A : i32 to index
      %swap3A_810 = tpu.vector_load %arg9[%swap3A_808, %swap3A_809] {strides = array<i32>} : memref<2x2048xi32, #tpu.memory_space<vmem>>, vector<16xi32>,
      tpu.vector_store %arg9[%swap3A_808, %swap3A_809], %select_n3A_698 {strides = array<i32>} : memref<2x2048xi32, #tpu.memory_space<vmem>>, vector<16xi32>,
      %swap3A_811 = arith.constant 0 : i32
      %swap3A_812 = arith.index_cast %swap3A_811 : i32 to index
      %swap3A_813 = arith.index_cast %multiple_of3A : i32 to index
      %swap3A_814 = tpu.vector_load %arg10[%swap3A_812, %swap3A_813] {strides = array<i32>} : memref<2x2048xf32, #tpu.memory_space<vmem>>, vector<16xf32>,
      tpu.vector_store %arg10[%swap3A_812, %swap3A_813], %div3A_708 {strides = array<i32>} : memref<2x2048xf32, #tpu.memory_space<vmem>>, vector<16xf32>,
      %swap3A_815 = arith.constant 1 : i32
      %swap3A_816 = arith.index_cast %swap3A_815 : i32 to index
      %swap3A_817 = arith.index_cast %multiple_of3A : i32 to index
      %swap3A_818 = tpu.vector_load %arg10[%swap3A_816, %swap3A_817] {strides = array<i32>} : memref<2x2048xf32, #tpu.memory_space<vmem>>, vector<16xf32>,
      tpu.vector_store %arg10[%swap3A_816, %swap3A_817], %div3A_709 {strides = array<i32>} : memref<2x2048xf32, #tpu.memory_space<vmem>>, vector<16xf32>,
      scf.yield %add3A_730, %add3A_740, %add3A_750, %add3A_760, %add3A_770, %add3A_780, %add3A_790, %add3A_800, %add3A_732, %add3A_742, %add3A_752, %add3A_762, %add3A_772, %add3A_782, %add3A_792, %add3A_802 : vector<16xf32>, vector<16xf32>, vector<16xf32>, vector<16xf32>, vector<16xf32>, vector<16xf32>, vector<16xf32>, vector<16xf32>, vector<16xf32>, vector<16xf32>, vector<16xf32>, vector<16xf32>, vector<16xf32>, vector<16xf32>, vector<16xf32>, vector<16xf32>
    }
    %scan3A_213 = arith.constant 128 : i32
    %broadcast_in_dim3A_214 = arith.constant 0.000000e+00 : f32
    %broadcast_in_dim3A_215 = vector.broadcast %broadcast_in_dim3A_214 : f32 to vector<16xf32>
    %broadcast_in_dim3A_216 = arith.constant 0.000000e+00 : f32
    %broadcast_in_dim3A_217 = vector.broadcast %broadcast_in_dim3A_216 : f32 to vector<16xf32>
    %eq3A = arith.constant 0 : i32
    %eq3A_218 = vector.broadcast %eq3A : i32 to vector<16xi32>
    %eq3A_219 = arith.cmpi eq, %iota3A, %eq3A_218 : vector<16xi32>
    %reduce_sum3A = arith.constant true
    %reduce_sum3A_220 = vector.broadcast %reduce_sum3A : i1 to vector<16xi1>
    %reduce_sum3A_221 = tpu.scan <sum>, %scan3A_212#0 masked %reduce_sum3A_220 : vector<16xf32>, vector<16xi1> -> vector<16xf32>
    %reduce_sum3A_222 = vector.extract %reduce_sum3A_221[15] : f32 from vector<16xf32>
    %broadcast_in_dim3A_223 = vector.broadcast %reduce_sum3A_222 : f32 to vector<16xf32>
    %select_n3A = arith.select %eq3A_219, %broadcast_in_dim3A_223, %broadcast_in_dim3A_215 : vector<16xi1>, vector<16xf32>
    %eq3A_224 = arith.constant 0 : i32
    %eq3A_225 = vector.broadcast %eq3A_224 : i32 to vector<16xi32>
    %eq3A_226 = arith.cmpi eq, %iota3A, %eq3A_225 : vector<16xi32>
    %reduce_sum3A_227 = arith.constant true
    %reduce_sum3A_228 = vector.broadcast %reduce_sum3A_227 : i1 to vector<16xi1>
    %reduce_sum3A_229 = tpu.scan <sum>, %scan3A_212#8 masked %reduce_sum3A_228 : vector<16xf32>, vector<16xi1> -> vector<16xf32>
    %reduce_sum3A_230 = vector.extract %reduce_sum3A_229[15] : f32 from vector<16xf32>
    %broadcast_in_dim3A_231 = vector.broadcast %reduce_sum3A_230 : f32 to vector<16xf32>
    %select_n3A_232 = arith.select %eq3A_226, %broadcast_in_dim3A_231, %broadcast_in_dim3A_217 : vector<16xi1>, vector<16xf32>
    %eq3A_233 = arith.constant 1 : i32
    %eq3A_234 = vector.broadcast %eq3A_233 : i32 to vector<16xi32>
    %eq3A_235 = arith.cmpi eq, %iota3A, %eq3A_234 : vector<16xi32>
    %reduce_sum3A_236 = arith.constant true
    %reduce_sum3A_237 = vector.broadcast %reduce_sum3A_236 : i1 to vector<16xi1>
    %reduce_sum3A_238 = tpu.scan <sum>, %scan3A_212#1 masked %reduce_sum3A_237 : vector<16xf32>, vector<16xi1> -> vector<16xf32>
    %reduce_sum3A_239 = vector.extract %reduce_sum3A_238[15] : f32 from vector<16xf32>
    %broadcast_in_dim3A_240 = vector.broadcast %reduce_sum3A_239 : f32 to vector<16xf32>
    %select_n3A_241 = arith.select %eq3A_235, %broadcast_in_dim3A_240, %select_n3A : vector<16xi1>, vector<16xf32>
    %eq3A_242 = arith.constant 1 : i32
    %eq3A_243 = vector.broadcast %eq3A_242 : i32 to vector<16xi32>
    %eq3A_244 = arith.cmpi eq, %iota3A, %eq3A_243 : vector<16xi32>
    %reduce_sum3A_245 = arith.constant true
    %reduce_sum3A_246 = vector.broadcast %reduce_sum3A_245 : i1 to vector<16xi1>
    %reduce_sum3A_247 = tpu.scan <sum>, %scan3A_212#9 masked %reduce_sum3A_246 : vector<16xf32>, vector<16xi1> -> vector<16xf32>
    %reduce_sum3A_248 = vector.extract %reduce_sum3A_247[15] : f32 from vector<16xf32>
    %broadcast_in_dim3A_249 = vector.broadcast %reduce_sum3A_248 : f32 to vector<16xf32>
    %select_n3A_250 = arith.select %eq3A_244, %broadcast_in_dim3A_249, %select_n3A_232 : vector<16xi1>, vector<16xf32>
    %eq3A_251 = arith.constant 2 : i32
    %eq3A_252 = vector.broadcast %eq3A_251 : i32 to vector<16xi32>
    %eq3A_253 = arith.cmpi eq, %iota3A, %eq3A_252 : vector<16xi32>
    %reduce_sum3A_254 = arith.constant true
    %reduce_sum3A_255 = vector.broadcast %reduce_sum3A_254 : i1 to vector<16xi1>
    %reduce_sum3A_256 = tpu.scan <sum>, %scan3A_212#2 masked %reduce_sum3A_255 : vector<16xf32>, vector<16xi1> -> vector<16xf32>
    %reduce_sum3A_257 = vector.extract %reduce_sum3A_256[15] : f32 from vector<16xf32>
    %broadcast_in_dim3A_258 = vector.broadcast %reduce_sum3A_257 : f32 to vector<16xf32>
    %select_n3A_259 = arith.select %eq3A_253, %broadcast_in_dim3A_258, %select_n3A_241 : vector<16xi1>, vector<16xf32>
    %eq3A_260 = arith.constant 2 : i32
    %eq3A_261 = vector.broadcast %eq3A_260 : i32 to vector<16xi32>
    %eq3A_262 = arith.cmpi eq, %iota3A, %eq3A_261 : vector<16xi32>
    %reduce_sum3A_263 = arith.constant true
    %reduce_sum3A_264 = vector.broadcast %reduce_sum3A_263 : i1 to vector<16xi1>
    %reduce_sum3A_265 = tpu.scan <sum>, %scan3A_212#10 masked %reduce_sum3A_264 : vector<16xf32>, vector<16xi1> -> vector<16xf32>
    %reduce_sum3A_266 = vector.extract %reduce_sum3A_265[15] : f32 from vector<16xf32>
    %broadcast_in_dim3A_267 = vector.broadcast %reduce_sum3A_266 : f32 to vector<16xf32>
    %select_n3A_268 = arith.select %eq3A_262, %broadcast_in_dim3A_267, %select_n3A_250 : vector<16xi1>, vector<16xf32>
    %eq3A_269 = arith.constant 3 : i32
    %eq3A_270 = vector.broadcast %eq3A_269 : i32 to vector<16xi32>
    %eq3A_271 = arith.cmpi eq, %iota3A, %eq3A_270 : vector<16xi32>
    %reduce_sum3A_272 = arith.constant true
    %reduce_sum3A_273 = vector.broadcast %reduce_sum3A_272 : i1 to vector<16xi1>
    %reduce_sum3A_274 = tpu.scan <sum>, %scan3A_212#3 masked %reduce_sum3A_273 : vector<16xf32>, vector<16xi1> -> vector<16xf32>
    %reduce_sum3A_275 = vector.extract %reduce_sum3A_274[15] : f32 from vector<16xf32>
    %broadcast_in_dim3A_276 = vector.broadcast %reduce_sum3A_275 : f32 to vector<16xf32>
    %select_n3A_277 = arith.select %eq3A_271, %broadcast_in_dim3A_276, %select_n3A_259 : vector<16xi1>, vector<16xf32>
    %eq3A_278 = arith.constant 3 : i32
    %eq3A_279 = vector.broadcast %eq3A_278 : i32 to vector<16xi32>
    %eq3A_280 = arith.cmpi eq, %iota3A, %eq3A_279 : vector<16xi32>
    %reduce_sum3A_281 = arith.constant true
    %reduce_sum3A_282 = vector.broadcast %reduce_sum3A_281 : i1 to vector<16xi1>
    %reduce_sum3A_283 = tpu.scan <sum>, %scan3A_212#11 masked %reduce_sum3A_282 : vector<16xf32>, vector<16xi1> -> vector<16xf32>
    %reduce_sum3A_284 = vector.extract %reduce_sum3A_283[15] : f32 from vector<16xf32>
    %broadcast_in_dim3A_285 = vector.broadcast %reduce_sum3A_284 : f32 to vector<16xf32>
    %select_n3A_286 = arith.select %eq3A_280, %broadcast_in_dim3A_285, %select_n3A_268 : vector<16xi1>, vector<16xf32>
    %eq3A_287 = arith.constant 4 : i32
    %eq3A_288 = vector.broadcast %eq3A_287 : i32 to vector<16xi32>
    %eq3A_289 = arith.cmpi eq, %iota3A, %eq3A_288 : vector<16xi32>
    %reduce_sum3A_290 = arith.constant true
    %reduce_sum3A_291 = vector.broadcast %reduce_sum3A_290 : i1 to vector<16xi1>
    %reduce_sum3A_292 = tpu.scan <sum>, %scan3A_212#4 masked %reduce_sum3A_291 : vector<16xf32>, vector<16xi1> -> vector<16xf32>
    %reduce_sum3A_293 = vector.extract %reduce_sum3A_292[15] : f32 from vector<16xf32>
    %broadcast_in_dim3A_294 = vector.broadcast %reduce_sum3A_293 : f32 to vector<16xf32>
    %select_n3A_295 = arith.select %eq3A_289, %broadcast_in_dim3A_294, %select_n3A_277 : vector<16xi1>, vector<16xf32>
    %eq3A_296 = arith.constant 4 : i32
    %eq3A_297 = vector.broadcast %eq3A_296 : i32 to vector<16xi32>
    %eq3A_298 = arith.cmpi eq, %iota3A, %eq3A_297 : vector<16xi32>
    %reduce_sum3A_299 = arith.constant true
    %reduce_sum3A_300 = vector.broadcast %reduce_sum3A_299 : i1 to vector<16xi1>
    %reduce_sum3A_301 = tpu.scan <sum>, %scan3A_212#12 masked %reduce_sum3A_300 : vector<16xf32>, vector<16xi1> -> vector<16xf32>
    %reduce_sum3A_302 = vector.extract %reduce_sum3A_301[15] : f32 from vector<16xf32>
    %broadcast_in_dim3A_303 = vector.broadcast %reduce_sum3A_302 : f32 to vector<16xf32>
    %select_n3A_304 = arith.select %eq3A_298, %broadcast_in_dim3A_303, %select_n3A_286 : vector<16xi1>, vector<16xf32>
    %eq3A_305 = arith.constant 5 : i32
    %eq3A_306 = vector.broadcast %eq3A_305 : i32 to vector<16xi32>
    %eq3A_307 = arith.cmpi eq, %iota3A, %eq3A_306 : vector<16xi32>
    %reduce_sum3A_308 = arith.constant true
    %reduce_sum3A_309 = vector.broadcast %reduce_sum3A_308 : i1 to vector<16xi1>
    %reduce_sum3A_310 = tpu.scan <sum>, %scan3A_212#5 masked %reduce_sum3A_309 : vector<16xf32>, vector<16xi1> -> vector<16xf32>
    %reduce_sum3A_311 = vector.extract %reduce_sum3A_310[15] : f32 from vector<16xf32>
    %broadcast_in_dim3A_312 = vector.broadcast %reduce_sum3A_311 : f32 to vector<16xf32>
    %select_n3A_313 = arith.select %eq3A_307, %broadcast_in_dim3A_312, %select_n3A_295 : vector<16xi1>, vector<16xf32>
    %eq3A_314 = arith.constant 5 : i32
    %eq3A_315 = vector.broadcast %eq3A_314 : i32 to vector<16xi32>
    %eq3A_316 = arith.cmpi eq, %iota3A, %eq3A_315 : vector<16xi32>
    %reduce_sum3A_317 = arith.constant true
    %reduce_sum3A_318 = vector.broadcast %reduce_sum3A_317 : i1 to vector<16xi1>
    %reduce_sum3A_319 = tpu.scan <sum>, %scan3A_212#13 masked %reduce_sum3A_318 : vector<16xf32>, vector<16xi1> -> vector<16xf32>
    %reduce_sum3A_320 = vector.extract %reduce_sum3A_319[15] : f32 from vector<16xf32>
    %broadcast_in_dim3A_321 = vector.broadcast %reduce_sum3A_320 : f32 to vector<16xf32>
    %select_n3A_322 = arith.select %eq3A_316, %broadcast_in_dim3A_321, %select_n3A_304 : vector<16xi1>, vector<16xf32>
    %eq3A_323 = arith.constant 6 : i32
    %eq3A_324 = vector.broadcast %eq3A_323 : i32 to vector<16xi32>
    %eq3A_325 = arith.cmpi eq, %iota3A, %eq3A_324 : vector<16xi32>
    %reduce_sum3A_326 = arith.constant true
    %reduce_sum3A_327 = vector.broadcast %reduce_sum3A_326 : i1 to vector<16xi1>
    %reduce_sum3A_328 = tpu.scan <sum>, %scan3A_212#6 masked %reduce_sum3A_327 : vector<16xf32>, vector<16xi1> -> vector<16xf32>
    %reduce_sum3A_329 = vector.extract %reduce_sum3A_328[15] : f32 from vector<16xf32>
    %broadcast_in_dim3A_330 = vector.broadcast %reduce_sum3A_329 : f32 to vector<16xf32>
    %select_n3A_331 = arith.select %eq3A_325, %broadcast_in_dim3A_330, %select_n3A_313 : vector<16xi1>, vector<16xf32>
    %eq3A_332 = arith.constant 6 : i32
    %eq3A_333 = vector.broadcast %eq3A_332 : i32 to vector<16xi32>
    %eq3A_334 = arith.cmpi eq, %iota3A, %eq3A_333 : vector<16xi32>
    %reduce_sum3A_335 = arith.constant true
    %reduce_sum3A_336 = vector.broadcast %reduce_sum3A_335 : i1 to vector<16xi1>
    %reduce_sum3A_337 = tpu.scan <sum>, %scan3A_212#14 masked %reduce_sum3A_336 : vector<16xf32>, vector<16xi1> -> vector<16xf32>
    %reduce_sum3A_338 = vector.extract %reduce_sum3A_337[15] : f32 from vector<16xf32>
    %broadcast_in_dim3A_339 = vector.broadcast %reduce_sum3A_338 : f32 to vector<16xf32>
    %select_n3A_340 = arith.select %eq3A_334, %broadcast_in_dim3A_339, %select_n3A_322 : vector<16xi1>, vector<16xf32>
    %eq3A_341 = arith.constant 7 : i32
    %eq3A_342 = vector.broadcast %eq3A_341 : i32 to vector<16xi32>
    %eq3A_343 = arith.cmpi eq, %iota3A, %eq3A_342 : vector<16xi32>
    %reduce_sum3A_344 = arith.constant true
    %reduce_sum3A_345 = vector.broadcast %reduce_sum3A_344 : i1 to vector<16xi1>
    %reduce_sum3A_346 = tpu.scan <sum>, %scan3A_212#7 masked %reduce_sum3A_345 : vector<16xf32>, vector<16xi1> -> vector<16xf32>
    %reduce_sum3A_347 = vector.extract %reduce_sum3A_346[15] : f32 from vector<16xf32>
    %broadcast_in_dim3A_348 = vector.broadcast %reduce_sum3A_347 : f32 to vector<16xf32>
    %select_n3A_349 = arith.select %eq3A_343, %broadcast_in_dim3A_348, %select_n3A_331 : vector<16xi1>, vector<16xf32>
    %eq3A_350 = arith.constant 7 : i32
    %eq3A_351 = vector.broadcast %eq3A_350 : i32 to vector<16xi32>
    %eq3A_352 = arith.cmpi eq, %iota3A, %eq3A_351 : vector<16xi32>
    %reduce_sum3A_353 = arith.constant true
    %reduce_sum3A_354 = vector.broadcast %reduce_sum3A_353 : i1 to vector<16xi1>
    %reduce_sum3A_355 = tpu.scan <sum>, %scan3A_212#15 masked %reduce_sum3A_354 : vector<16xf32>, vector<16xi1> -> vector<16xf32>
    %reduce_sum3A_356 = vector.extract %reduce_sum3A_355[15] : f32 from vector<16xf32>
    %broadcast_in_dim3A_357 = vector.broadcast %reduce_sum3A_356 : f32 to vector<16xf32>
    %select_n3A_358 = arith.select %eq3A_352, %broadcast_in_dim3A_357, %select_n3A_340 : vector<16xi1>, vector<16xf32>
    %swap3A = arith.constant 0 : index
    %swap3A_359 = tpu.vector_load %arg11[%swap3A] {strides = array<i32>} : memref<32xf32, #tpu.memory_space<vmem>>, vector<16xf32>,
    tpu.vector_store %arg11[%swap3A], %select_n3A_349 {strides = array<i32>} : memref<32xf32, #tpu.memory_space<vmem>>, vector<16xf32>,
    %swap3A_360 = arith.constant 16 : index
    %swap3A_361 = tpu.vector_load %arg11[%swap3A_360] {strides = array<i32>} : memref<32xf32, #tpu.memory_space<vmem>>, vector<16xf32>,
    tpu.vector_store %arg11[%swap3A_360], %select_n3A_358 {strides = array<i32>} : memref<32xf32, #tpu.memory_space<vmem>>, vector<16xf32>,
    %dma_start3A_362 = arith.constant 0 : i32
    %dma_start3A_363 = arith.constant 0 : i32
    %dma_start3A_364 = arith.constant 0 : i32
    %dma_start3A_365 = tpu.memref_slice %arg9[%dma_start3A_362, %dma_start3A_364] : memref<2x2048xi32, #tpu.memory_space<vmem>> -> memref<1x2048xi32, #tpu.memory_space<vmem>>
    %dma_start3A_366 = tpu.memref_squeeze %dma_start3A_365 : memref<1x2048xi32, #tpu.memory_space<vmem>> -> memref<2048xi32, #tpu.memory_space<vmem>>
    %dma_start3A_367 = tpu.memref_slice %arg4[%dma_start3A_363, %mul3A_0] : memref<2x32768xi32, #tpu.memory_space<hbm>> -> memref<1x2048xi32, #tpu.memory_space<hbm>>
    %dma_start3A_368 = tpu.memref_squeeze %dma_start3A_367 : memref<1x2048xi32, #tpu.memory_space<hbm>> -> memref<2048xi32, #tpu.memory_space<hbm>>
    %dma_start3A_369 = tpu.memref_slice %arg4[%dma_start3A_363, %mul3A_0] : memref<2x32768xi32, #tpu.memory_space<hbm>> -> memref<1x2048xi32, #tpu.memory_space<hbm>>
    %dma_start3A_370 = tpu.memref_squeeze %dma_start3A_369 : memref<1x2048xi32, #tpu.memory_space<hbm>> -> memref<2048xi32, #tpu.memory_space<hbm>>
    %dma_start3A_371 = arith.constant 0 : i32
    %dma_start3A_372 = tpu.memref_slice %arg9[%dma_start3A_362, %dma_start3A_371] : memref<2x2048xi32, #tpu.memory_space<vmem>> -> memref<1x2048xi32, #tpu.memory_space<vmem>>
    %dma_start3A_373 = tpu.memref_squeeze %dma_start3A_372 : memref<1x2048xi32, #tpu.memory_space<vmem>> -> memref<2048xi32, #tpu.memory_space<vmem>>
    tpu.enqueue_dma source(%dma_start3A_373 : memref<2048xi32, #tpu.memory_space<vmem>>) target(%dma_start3A_370 : memref<2048xi32, #tpu.memory_space<hbm>>) target_semaphore(%arg14 : memref<!tpu.dma_semaphore, #tpu.memory_space<semaphore_mem>>)
    %dma_start3A_374 = arith.constant 0 : i32
    %dma_start3A_375 = arith.constant 0 : i32
    %dma_start3A_376 = arith.constant 0 : i32
    %dma_start3A_377 = tpu.memref_slice %arg10[%dma_start3A_374, %dma_start3A_376] : memref<2x2048xf32, #tpu.memory_space<vmem>> -> memref<1x2048xf32, #tpu.memory_space<vmem>>
    %dma_start3A_378 = tpu.memref_squeeze %dma_start3A_377 : memref<1x2048xf32, #tpu.memory_space<vmem>> -> memref<2048xf32, #tpu.memory_space<vmem>>
    %dma_start3A_379 = tpu.memref_slice %arg5[%dma_start3A_375, %mul3A_0] : memref<2x32768xf32, #tpu.memory_space<hbm>> -> memref<1x2048xf32, #tpu.memory_space<hbm>>
    %dma_start3A_380 = tpu.memref_squeeze %dma_start3A_379 : memref<1x2048xf32, #tpu.memory_space<hbm>> -> memref<2048xf32, #tpu.memory_space<hbm>>
    %dma_start3A_381 = tpu.memref_slice %arg5[%dma_start3A_375, %mul3A_0] : memref<2x32768xf32, #tpu.memory_space<hbm>> -> memref<1x2048xf32, #tpu.memory_space<hbm>>
    %dma_start3A_382 = tpu.memref_squeeze %dma_start3A_381 : memref<1x2048xf32, #tpu.memory_space<hbm>> -> memref<2048xf32, #tpu.memory_space<hbm>>
    %dma_start3A_383 = arith.constant 0 : i32
    %dma_start3A_384 = tpu.memref_slice %arg10[%dma_start3A_374, %dma_start3A_383] : memref<2x2048xf32, #tpu.memory_space<vmem>> -> memref<1x2048xf32, #tpu.memory_space<vmem>>
    %dma_start3A_385 = tpu.memref_squeeze %dma_start3A_384 : memref<1x2048xf32, #tpu.memory_space<vmem>> -> memref<2048xf32, #tpu.memory_space<vmem>>
    tpu.enqueue_dma source(%dma_start3A_385 : memref<2048xf32, #tpu.memory_space<vmem>>) target(%dma_start3A_382 : memref<2048xf32, #tpu.memory_space<hbm>>) target_semaphore(%arg14 : memref<!tpu.dma_semaphore, #tpu.memory_space<semaphore_mem>>)
    %dma_start3A_386 = arith.constant 1 : i32
    %dma_start3A_387 = arith.constant 1 : i32
    %dma_start3A_388 = arith.constant 0 : i32
    %dma_start3A_389 = tpu.memref_slice %arg9[%dma_start3A_386, %dma_start3A_388] : memref<2x2048xi32, #tpu.memory_space<vmem>> -> memref<1x2048xi32, #tpu.memory_space<vmem>>
    %dma_start3A_390 = tpu.memref_squeeze %dma_start3A_389 : memref<1x2048xi32, #tpu.memory_space<vmem>> -> memref<2048xi32, #tpu.memory_space<vmem>>
    %dma_start3A_391 = tpu.memref_slice %arg4[%dma_start3A_387, %mul3A_0] : memref<2x32768xi32, #tpu.memory_space<hbm>> -> memref<1x2048xi32, #tpu.memory_space<hbm>>
    %dma_start3A_392 = tpu.memref_squeeze %dma_start3A_391 : memref<1x2048xi32, #tpu.memory_space<hbm>> -> memref<2048xi32, #tpu.memory_space<hbm>>
    %dma_start3A_393 = tpu.memref_slice %arg4[%dma_start3A_387, %mul3A_0] : memref<2x32768xi32, #tpu.memory_space<hbm>> -> memref<1x2048xi32, #tpu.memory_space<hbm>>
    %dma_start3A_394 = tpu.memref_squeeze %dma_start3A_393 : memref<1x2048xi32, #tpu.memory_space<hbm>> -> memref<2048xi32, #tpu.memory_space<hbm>>
    %dma_start3A_395 = arith.constant 0 : i32
    %dma_start3A_396 = tpu.memref_slice %arg9[%dma_start3A_386, %dma_start3A_395] : memref<2x2048xi32, #tpu.memory_space<vmem>> -> memref<1x2048xi32, #tpu.memory_space<vmem>>
    %dma_start3A_397 = tpu.memref_squeeze %dma_start3A_396 : memref<1x2048xi32, #tpu.memory_space<vmem>> -> memref<2048xi32, #tpu.memory_space<vmem>>
    tpu.enqueue_dma source(%dma_start3A_397 : memref<2048xi32, #tpu.memory_space<vmem>>) target(%dma_start3A_394 : memref<2048xi32, #tpu.memory_space<hbm>>) target_semaphore(%arg14 : memref<!tpu.dma_semaphore, #tpu.memory_space<semaphore_mem>>)
    %dma_start3A_398 = arith.constant 1 : i32
    %dma_start3A_399 = arith.constant 1 : i32
    %dma_start3A_400 = arith.constant 0 : i32
    %dma_start3A_401 = tpu.memref_slice %arg10[%dma_start3A_398, %dma_start3A_400] : memref<2x2048xf32, #tpu.memory_space<vmem>> -> memref<1x2048xf32, #tpu.memory_space<vmem>>
    %dma_start3A_402 = tpu.memref_squeeze %dma_start3A_401 : memref<1x2048xf32, #tpu.memory_space<vmem>> -> memref<2048xf32, #tpu.memory_space<vmem>>
    %dma_start3A_403 = tpu.memref_slice %arg5[%dma_start3A_399, %mul3A_0] : memref<2x32768xf32, #tpu.memory_space<hbm>> -> memref<1x2048xf32, #tpu.memory_space<hbm>>
    %dma_start3A_404 = tpu.memref_squeeze %dma_start3A_403 : memref<1x2048xf32, #tpu.memory_space<hbm>> -> memref<2048xf32, #tpu.memory_space<hbm>>
    %dma_start3A_405 = tpu.memref_slice %arg5[%dma_start3A_399, %mul3A_0] : memref<2x32768xf32, #tpu.memory_space<hbm>> -> memref<1x2048xf32, #tpu.memory_space<hbm>>
    %dma_start3A_406 = tpu.memref_squeeze %dma_start3A_405 : memref<1x2048xf32, #tpu.memory_space<hbm>> -> memref<2048xf32, #tpu.memory_space<hbm>>
    %dma_start3A_407 = arith.constant 0 : i32
    %dma_start3A_408 = tpu.memref_slice %arg10[%dma_start3A_398, %dma_start3A_407] : memref<2x2048xf32, #tpu.memory_space<vmem>> -> memref<1x2048xf32, #tpu.memory_space<vmem>>
    %dma_start3A_409 = tpu.memref_squeeze %dma_start3A_408 : memref<1x2048xf32, #tpu.memory_space<vmem>> -> memref<2048xf32, #tpu.memory_space<vmem>>
    tpu.enqueue_dma source(%dma_start3A_409 : memref<2048xf32, #tpu.memory_space<vmem>>) target(%dma_start3A_406 : memref<2048xf32, #tpu.memory_space<hbm>>) target_semaphore(%arg14 : memref<!tpu.dma_semaphore, #tpu.memory_space<semaphore_mem>>)
    %mul3A_410 = arith.constant 2 : i32
    %mul3A_411 = arith.muli %arg1, %mul3A_410 : i32
    %mul3A_412 = arith.constant 16 : i32
    %mul3A_413 = arith.muli %mul3A_411, %mul3A_412 : i32
    "tpu.region"() ({
      %run_scoped3A = tpu.sem_alloc : memref<!tpu.dma_semaphore, #tpu.memory_space<semaphore_mem>>
      %dma_start3A_465 = tpu.memref_slice %arg13[%mul3A_413] : memref<512xf32, #tpu.memory_space<vmem_shared>> -> memref<32xf32, #tpu.memory_space<vmem_shared>>
      %dma_start3A_466 = tpu.memref_slice %arg13[%mul3A_413] : memref<512xf32, #tpu.memory_space<vmem_shared>> -> memref<32xf32, #tpu.memory_space<vmem_shared>>
      tpu.enqueue_dma source(%arg11 : memref<32xf32, #tpu.memory_space<vmem>>) target(%dma_start3A_466 : memref<32xf32, #tpu.memory_space<vmem_shared>>) target_semaphore(%run_scoped3A : memref<!tpu.dma_semaphore, #tpu.memory_space<semaphore_mem>>)
      %dma_wait3A_467 = tpu.memref_slice %arg13[%mul3A_413] : memref<512xf32, #tpu.memory_space<vmem_shared>> -> memref<32xf32, #tpu.memory_space<vmem_shared>>
      %dma_wait3A_468 = tpu.memref_slice %arg13[%mul3A_413] : memref<512xf32, #tpu.memory_space<vmem_shared>> -> memref<32xf32, #tpu.memory_space<vmem_shared>>
      tpu.wait_dma2 semaphore(%run_scoped3A : memref<!tpu.dma_semaphore, #tpu.memory_space<semaphore_mem>>) src(%arg11 : memref<32xf32, #tpu.memory_space<vmem>>) dst(%dma_wait3A_468 : memref<32xf32, #tpu.memory_space<vmem_shared>>)
      tpu.yield
    }) : () -> ()
    %dma_wait3A_414 = arith.constant 0 : i32
    %dma_wait3A_415 = arith.constant 0 : i32
    %dma_wait3A_416 = arith.constant 0 : i32
    %dma_wait3A_417 = tpu.memref_slice %arg9[%dma_wait3A_414, %dma_wait3A_416] : memref<2x2048xi32, #tpu.memory_space<vmem>> -> memref<1x2048xi32, #tpu.memory_space<vmem>>
    %dma_wait3A_418 = tpu.memref_squeeze %dma_wait3A_417 : memref<1x2048xi32, #tpu.memory_space<vmem>> -> memref<2048xi32, #tpu.memory_space<vmem>>
    %dma_wait3A_419 = tpu.memref_slice %arg4[%dma_wait3A_415, %mul3A_0] : memref<2x32768xi32, #tpu.memory_space<hbm>> -> memref<1x2048xi32, #tpu.memory_space<hbm>>
    %dma_wait3A_420 = tpu.memref_squeeze %dma_wait3A_419 : memref<1x2048xi32, #tpu.memory_space<hbm>> -> memref<2048xi32, #tpu.memory_space<hbm>>
    %dma_wait3A_421 = tpu.memref_slice %arg4[%dma_wait3A_415, %mul3A_0] : memref<2x32768xi32, #tpu.memory_space<hbm>> -> memref<1x2048xi32, #tpu.memory_space<hbm>>
    %dma_wait3A_422 = tpu.memref_squeeze %dma_wait3A_421 : memref<1x2048xi32, #tpu.memory_space<hbm>> -> memref<2048xi32, #tpu.memory_space<hbm>>
    %dma_wait3A_423 = arith.constant 0 : i32
    %dma_wait3A_424 = tpu.memref_slice %arg9[%dma_wait3A_414, %dma_wait3A_423] : memref<2x2048xi32, #tpu.memory_space<vmem>> -> memref<1x2048xi32, #tpu.memory_space<vmem>>
    %dma_wait3A_425 = tpu.memref_squeeze %dma_wait3A_424 : memref<1x2048xi32, #tpu.memory_space<vmem>> -> memref<2048xi32, #tpu.memory_space<vmem>>
    tpu.wait_dma2 semaphore(%arg14 : memref<!tpu.dma_semaphore, #tpu.memory_space<semaphore_mem>>) src(%dma_wait3A_425 : memref<2048xi32, #tpu.memory_space<vmem>>) dst(%dma_wait3A_422 : memref<2048xi32, #tpu.memory_space<hbm>>)
    %dma_wait3A_426 = arith.constant 0 : i32
    %dma_wait3A_427 = arith.constant 0 : i32
    %dma_wait3A_428 = arith.constant 0 : i32
    %dma_wait3A_429 = tpu.memref_slice %arg10[%dma_wait3A_426, %dma_wait3A_428] : memref<2x2048xf32, #tpu.memory_space<vmem>> -> memref<1x2048xf32, #tpu.memory_space<vmem>>
    %dma_wait3A_430 = tpu.memref_squeeze %dma_wait3A_429 : memref<1x2048xf32, #tpu.memory_space<vmem>> -> memref<2048xf32, #tpu.memory_space<vmem>>
    %dma_wait3A_431 = tpu.memref_slice %arg5[%dma_wait3A_427, %mul3A_0] : memref<2x32768xf32, #tpu.memory_space<hbm>> -> memref<1x2048xf32, #tpu.memory_space<hbm>>
    %dma_wait3A_432 = tpu.memref_squeeze %dma_wait3A_431 : memref<1x2048xf32, #tpu.memory_space<hbm>> -> memref<2048xf32, #tpu.memory_space<hbm>>
    %dma_wait3A_433 = tpu.memref_slice %arg5[%dma_wait3A_427, %mul3A_0] : memref<2x32768xf32, #tpu.memory_space<hbm>> -> memref<1x2048xf32, #tpu.memory_space<hbm>>
    %dma_wait3A_434 = tpu.memref_squeeze %dma_wait3A_433 : memref<1x2048xf32, #tpu.memory_space<hbm>> -> memref<2048xf32, #tpu.memory_space<hbm>>
    %dma_wait3A_435 = arith.constant 0 : i32
    %dma_wait3A_436 = tpu.memref_slice %arg10[%dma_wait3A_426, %dma_wait3A_435] : memref<2x2048xf32, #tpu.memory_space<vmem>> -> memref<1x2048xf32, #tpu.memory_space<vmem>>
    %dma_wait3A_437 = tpu.memref_squeeze %dma_wait3A_436 : memref<1x2048xf32, #tpu.memory_space<vmem>> -> memref<2048xf32, #tpu.memory_space<vmem>>
    tpu.wait_dma2 semaphore(%arg14 : memref<!tpu.dma_semaphore, #tpu.memory_space<semaphore_mem>>) src(%dma_wait3A_437 : memref<2048xf32, #tpu.memory_space<vmem>>) dst(%dma_wait3A_434 : memref<2048xf32, #tpu.memory_space<hbm>>)
    %dma_wait3A_438 = arith.constant 1 : i32
    %dma_wait3A_439 = arith.constant 1 : i32
    %dma_wait3A_440 = arith.constant 0 : i32
    %dma_wait3A_441 = tpu.memref_slice %arg9[%dma_wait3A_438, %dma_wait3A_440] : memref<2x2048xi32, #tpu.memory_space<vmem>> -> memref<1x2048xi32, #tpu.memory_space<vmem>>
    %dma_wait3A_442 = tpu.memref_squeeze %dma_wait3A_441 : memref<1x2048xi32, #tpu.memory_space<vmem>> -> memref<2048xi32, #tpu.memory_space<vmem>>
    %dma_wait3A_443 = tpu.memref_slice %arg4[%dma_wait3A_439, %mul3A_0] : memref<2x32768xi32, #tpu.memory_space<hbm>> -> memref<1x2048xi32, #tpu.memory_space<hbm>>
    %dma_wait3A_444 = tpu.memref_squeeze %dma_wait3A_443 : memref<1x2048xi32, #tpu.memory_space<hbm>> -> memref<2048xi32, #tpu.memory_space<hbm>>
    %dma_wait3A_445 = tpu.memref_slice %arg4[%dma_wait3A_439, %mul3A_0] : memref<2x32768xi32, #tpu.memory_space<hbm>> -> memref<1x2048xi32, #tpu.memory_space<hbm>>
    %dma_wait3A_446 = tpu.memref_squeeze %dma_wait3A_445 : memref<1x2048xi32, #tpu.memory_space<hbm>> -> memref<2048xi32, #tpu.memory_space<hbm>>
    %dma_wait3A_447 = arith.constant 0 : i32
    %dma_wait3A_448 = tpu.memref_slice %arg9[%dma_wait3A_438, %dma_wait3A_447] : memref<2x2048xi32, #tpu.memory_space<vmem>> -> memref<1x2048xi32, #tpu.memory_space<vmem>>
    %dma_wait3A_449 = tpu.memref_squeeze %dma_wait3A_448 : memref<1x2048xi32, #tpu.memory_space<vmem>> -> memref<2048xi32, #tpu.memory_space<vmem>>
    tpu.wait_dma2 semaphore(%arg14 : memref<!tpu.dma_semaphore, #tpu.memory_space<semaphore_mem>>) src(%dma_wait3A_449 : memref<2048xi32, #tpu.memory_space<vmem>>) dst(%dma_wait3A_446 : memref<2048xi32, #tpu.memory_space<hbm>>)
    %dma_wait3A_450 = arith.constant 1 : i32
    %dma_wait3A_451 = arith.constant 1 : i32
    %dma_wait3A_452 = arith.constant 0 : i32
    %dma_wait3A_453 = tpu.memref_slice %arg10[%dma_wait3A_450, %dma_wait3A_452] : memref<2x2048xf32, #tpu.memory_space<vmem>> -> memref<1x2048xf32, #tpu.memory_space<vmem>>
    %dma_wait3A_454 = tpu.memref_squeeze %dma_wait3A_453 : memref<1x2048xf32, #tpu.memory_space<vmem>> -> memref<2048xf32, #tpu.memory_space<vmem>>
    %dma_wait3A_455 = tpu.memref_slice %arg5[%dma_wait3A_451, %mul3A_0] : memref<2x32768xf32, #tpu.memory_space<hbm>> -> memref<1x2048xf32, #tpu.memory_space<hbm>>
    %dma_wait3A_456 = tpu.memref_squeeze %dma_wait3A_455 : memref<1x2048xf32, #tpu.memory_space<hbm>> -> memref<2048xf32, #tpu.memory_space<hbm>>
    %dma_wait3A_457 = tpu.memref_slice %arg5[%dma_wait3A_451, %mul3A_0] : memref<2x32768xf32, #tpu.memory_space<hbm>> -> memref<1x2048xf32, #tpu.memory_space<hbm>>
    %dma_wait3A_458 = tpu.memref_squeeze %dma_wait3A_457 : memref<1x2048xf32, #tpu.memory_space<hbm>> -> memref<2048xf32, #tpu.memory_space<hbm>>
    %dma_wait3A_459 = arith.constant 0 : i32
    %dma_wait3A_460 = tpu.memref_slice %arg10[%dma_wait3A_450, %dma_wait3A_459] : memref<2x2048xf32, #tpu.memory_space<vmem>> -> memref<1x2048xf32, #tpu.memory_space<vmem>>
    %dma_wait3A_461 = tpu.memref_squeeze %dma_wait3A_460 : memref<1x2048xf32, #tpu.memory_space<vmem>> -> memref<2048xf32, #tpu.memory_space<vmem>>
    tpu.wait_dma2 semaphore(%arg14 : memref<!tpu.dma_semaphore, #tpu.memory_space<semaphore_mem>>) src(%dma_wait3A_461 : memref<2048xf32, #tpu.memory_space<vmem>>) dst(%dma_wait3A_458 : memref<2048xf32, #tpu.memory_space<hbm>>)
    %barrier3A = arith.constant 0 : index
    tpu.barrier barrier_id(%barrier3A)
    %eq3A_462 = arith.constant 0 : i32
    %eq3A_463 = arith.cmpi eq, %arg1, %eq3A_462 : i32
    %convert_element_type3A = arith.extui %eq3A_463 : i1 to i32
    %cond3A = arith.constant 0 : i32
    %cond3A_464 = arith.cmpi ne, %convert_element_type3A, %cond3A : i32
    scf.if %cond3A_464 {
      "tpu.region"() ({
        %run_scoped3A = tpu.sem_alloc : memref<!tpu.dma_semaphore, #tpu.memory_space<semaphore_mem>>
        tpu.enqueue_dma source(%arg13 : memref<512xf32, #tpu.memory_space<vmem_shared>>) target(%arg12 : memref<512xf32, #tpu.memory_space<vmem>>) target_semaphore(%run_scoped3A : memref<!tpu.dma_semaphore, #tpu.memory_space<semaphore_mem>>)
        tpu.wait_dma2 semaphore(%run_scoped3A : memref<!tpu.dma_semaphore, #tpu.memory_space<semaphore_mem>>) src(%arg13 : memref<512xf32, #tpu.memory_space<vmem_shared>>) dst(%arg12 : memref<512xf32, #tpu.memory_space<vmem>>)
        tpu.yield
      }) : () -> ()
      %get3A_465 = arith.constant 0 : index
      %get3A_466 = tpu.vector_load %arg12[%get3A_465] {strides = array<i32>} : memref<512xf32, #tpu.memory_space<vmem>>, vector<16xf32>,
      %get3A_467 = arith.constant 16 : index
      %get3A_468 = tpu.vector_load %arg12[%get3A_467] {strides = array<i32>} : memref<512xf32, #tpu.memory_space<vmem>>, vector<16xf32>,
      %get3A_469 = arith.constant 32 : index
      %get3A_470 = tpu.vector_load %arg12[%get3A_469] {strides = array<i32>} : memref<512xf32, #tpu.memory_space<vmem>>, vector<16xf32>,
      %add3A = arith.addf %get3A_466, %get3A_470 : vector<16xf32>
      %get3A_471 = arith.constant 48 : index
      %get3A_472 = tpu.vector_load %arg12[%get3A_471] {strides = array<i32>} : memref<512xf32, #tpu.memory_space<vmem>>, vector<16xf32>,
      %add3A_473 = arith.addf %get3A_468, %get3A_472 : vector<16xf32>
      %get3A_474 = arith.constant 64 : index
      %get3A_475 = tpu.vector_load %arg12[%get3A_474] {strides = array<i32>} : memref<512xf32, #tpu.memory_space<vmem>>, vector<16xf32>,
      %add3A_476 = arith.addf %add3A, %get3A_475 : vector<16xf32>
      %get3A_477 = arith.constant 80 : index
      %get3A_478 = tpu.vector_load %arg12[%get3A_477] {strides = array<i32>} : memref<512xf32, #tpu.memory_space<vmem>>, vector<16xf32>,
      %add3A_479 = arith.addf %add3A_473, %get3A_478 : vector<16xf32>
      %get3A_480 = arith.constant 96 : index
      %get3A_481 = tpu.vector_load %arg12[%get3A_480] {strides = array<i32>} : memref<512xf32, #tpu.memory_space<vmem>>, vector<16xf32>,
      %add3A_482 = arith.addf %add3A_476, %get3A_481 : vector<16xf32>
      %get3A_483 = arith.constant 112 : index
      %get3A_484 = tpu.vector_load %arg12[%get3A_483] {strides = array<i32>} : memref<512xf32, #tpu.memory_space<vmem>>, vector<16xf32>,
      %add3A_485 = arith.addf %add3A_479, %get3A_484 : vector<16xf32>
      %mul3A_486 = arith.mulf %add3A_482, %add3A_485 : vector<16xf32>
      %reduce_sum3A_487 = arith.constant true
      %reduce_sum3A_488 = vector.broadcast %reduce_sum3A_487 : i1 to vector<16xi1>
      %reduce_sum3A_489 = tpu.scan <sum>, %mul3A_486 masked %reduce_sum3A_488 : vector<16xf32>, vector<16xi1> -> vector<16xf32>
      %reduce_sum3A_490 = vector.extract %reduce_sum3A_489[15] : f32 from vector<16xf32>
      %add3A_491 = arith.constant 0.000000e+00 : f32
      %add3A_492 = arith.addf %add3A_491, %reduce_sum3A_490 : f32
      %get3A_493 = arith.constant 128 : index
      %get3A_494 = tpu.vector_load %arg12[%get3A_493] {strides = array<i32>} : memref<512xf32, #tpu.memory_space<vmem>>, vector<16xf32>,
      %get3A_495 = arith.constant 144 : index
      %get3A_496 = tpu.vector_load %arg12[%get3A_495] {strides = array<i32>} : memref<512xf32, #tpu.memory_space<vmem>>, vector<16xf32>,
      %get3A_497 = arith.constant 160 : index
      %get3A_498 = tpu.vector_load %arg12[%get3A_497] {strides = array<i32>} : memref<512xf32, #tpu.memory_space<vmem>>, vector<16xf32>,
      %add3A_499 = arith.addf %get3A_494, %get3A_498 : vector<16xf32>
      %get3A_500 = arith.constant 176 : index
      %get3A_501 = tpu.vector_load %arg12[%get3A_500] {strides = array<i32>} : memref<512xf32, #tpu.memory_space<vmem>>, vector<16xf32>,
      %add3A_502 = arith.addf %get3A_496, %get3A_501 : vector<16xf32>
      %get3A_503 = arith.constant 192 : index
      %get3A_504 = tpu.vector_load %arg12[%get3A_503] {strides = array<i32>} : memref<512xf32, #tpu.memory_space<vmem>>, vector<16xf32>,
      %add3A_505 = arith.addf %add3A_499, %get3A_504 : vector<16xf32>
      %get3A_506 = arith.constant 208 : index
      %get3A_507 = tpu.vector_load %arg12[%get3A_506] {strides = array<i32>} : memref<512xf32, #tpu.memory_space<vmem>>, vector<16xf32>,
      %add3A_508 = arith.addf %add3A_502, %get3A_507 : vector<16xf32>
      %get3A_509 = arith.constant 224 : index
      %get3A_510 = tpu.vector_load %arg12[%get3A_509] {strides = array<i32>} : memref<512xf32, #tpu.memory_space<vmem>>, vector<16xf32>,
      %add3A_511 = arith.addf %add3A_505, %get3A_510 : vector<16xf32>
      %get3A_512 = arith.constant 240 : index
      %get3A_513 = tpu.vector_load %arg12[%get3A_512] {strides = array<i32>} : memref<512xf32, #tpu.memory_space<vmem>>, vector<16xf32>,
      %add3A_514 = arith.addf %add3A_508, %get3A_513 : vector<16xf32>
      %mul3A_515 = arith.mulf %add3A_511, %add3A_514 : vector<16xf32>
      %reduce_sum3A_516 = arith.constant true
      %reduce_sum3A_517 = vector.broadcast %reduce_sum3A_516 : i1 to vector<16xi1>
      %reduce_sum3A_518 = tpu.scan <sum>, %mul3A_515 masked %reduce_sum3A_517 : vector<16xf32>, vector<16xi1> -> vector<16xf32>
      %reduce_sum3A_519 = vector.extract %reduce_sum3A_518[15] : f32 from vector<16xf32>
      %add3A_520 = arith.addf %add3A_492, %reduce_sum3A_519 : f32
      %get3A_521 = arith.constant 256 : index
      %get3A_522 = tpu.vector_load %arg12[%get3A_521] {strides = array<i32>} : memref<512xf32, #tpu.memory_space<vmem>>, vector<16xf32>,
      %get3A_523 = arith.constant 272 : index
      %get3A_524 = tpu.vector_load %arg12[%get3A_523] {strides = array<i32>} : memref<512xf32, #tpu.memory_space<vmem>>, vector<16xf32>,
      %get3A_525 = arith.constant 288 : index
      %get3A_526 = tpu.vector_load %arg12[%get3A_525] {strides = array<i32>} : memref<512xf32, #tpu.memory_space<vmem>>, vector<16xf32>,
      %add3A_527 = arith.addf %get3A_522, %get3A_526 : vector<16xf32>
      %get3A_528 = arith.constant 304 : index
      %get3A_529 = tpu.vector_load %arg12[%get3A_528] {strides = array<i32>} : memref<512xf32, #tpu.memory_space<vmem>>, vector<16xf32>,
      %add3A_530 = arith.addf %get3A_524, %get3A_529 : vector<16xf32>
      %get3A_531 = arith.constant 320 : index
      %get3A_532 = tpu.vector_load %arg12[%get3A_531] {strides = array<i32>} : memref<512xf32, #tpu.memory_space<vmem>>, vector<16xf32>,
      %add3A_533 = arith.addf %add3A_527, %get3A_532 : vector<16xf32>
      %get3A_534 = arith.constant 336 : index
      %get3A_535 = tpu.vector_load %arg12[%get3A_534] {strides = array<i32>} : memref<512xf32, #tpu.memory_space<vmem>>, vector<16xf32>,
      %add3A_536 = arith.addf %add3A_530, %get3A_535 : vector<16xf32>
      %get3A_537 = arith.constant 352 : index
      %get3A_538 = tpu.vector_load %arg12[%get3A_537] {strides = array<i32>} : memref<512xf32, #tpu.memory_space<vmem>>, vector<16xf32>,
      %add3A_539 = arith.addf %add3A_533, %get3A_538 : vector<16xf32>
      %get3A_540 = arith.constant 368 : index
      %get3A_541 = tpu.vector_load %arg12[%get3A_540] {strides = array<i32>} : memref<512xf32, #tpu.memory_space<vmem>>, vector<16xf32>,
      %add3A_542 = arith.addf %add3A_536, %get3A_541 : vector<16xf32>
      %mul3A_543 = arith.mulf %add3A_539, %add3A_542 : vector<16xf32>
      %reduce_sum3A_544 = arith.constant true
      %reduce_sum3A_545 = vector.broadcast %reduce_sum3A_544 : i1 to vector<16xi1>
      %reduce_sum3A_546 = tpu.scan <sum>, %mul3A_543 masked %reduce_sum3A_545 : vector<16xf32>, vector<16xi1> -> vector<16xf32>
      %reduce_sum3A_547 = vector.extract %reduce_sum3A_546[15] : f32 from vector<16xf32>
      %add3A_548 = arith.addf %add3A_520, %reduce_sum3A_547 : f32
      %get3A_549 = arith.constant 384 : index
      %get3A_550 = tpu.vector_load %arg12[%get3A_549] {strides = array<i32>} : memref<512xf32, #tpu.memory_space<vmem>>, vector<16xf32>,
      %get3A_551 = arith.constant 400 : index
      %get3A_552 = tpu.vector_load %arg12[%get3A_551] {strides = array<i32>} : memref<512xf32, #tpu.memory_space<vmem>>, vector<16xf32>,
      %get3A_553 = arith.constant 416 : index
      %get3A_554 = tpu.vector_load %arg12[%get3A_553] {strides = array<i32>} : memref<512xf32, #tpu.memory_space<vmem>>, vector<16xf32>,
      %add3A_555 = arith.addf %get3A_550, %get3A_554 : vector<16xf32>
      %get3A_556 = arith.constant 432 : index
      %get3A_557 = tpu.vector_load %arg12[%get3A_556] {strides = array<i32>} : memref<512xf32, #tpu.memory_space<vmem>>, vector<16xf32>,
      %add3A_558 = arith.addf %get3A_552, %get3A_557 : vector<16xf32>
      %get3A_559 = arith.constant 448 : index
      %get3A_560 = tpu.vector_load %arg12[%get3A_559] {strides = array<i32>} : memref<512xf32, #tpu.memory_space<vmem>>, vector<16xf32>,
      %add3A_561 = arith.addf %add3A_555, %get3A_560 : vector<16xf32>
      %get3A_562 = arith.constant 464 : index
      %get3A_563 = tpu.vector_load %arg12[%get3A_562] {strides = array<i32>} : memref<512xf32, #tpu.memory_space<vmem>>, vector<16xf32>,
      %add3A_564 = arith.addf %add3A_558, %get3A_563 : vector<16xf32>
      %get3A_565 = arith.constant 480 : index
      %get3A_566 = tpu.vector_load %arg12[%get3A_565] {strides = array<i32>} : memref<512xf32, #tpu.memory_space<vmem>>, vector<16xf32>,
      %add3A_567 = arith.addf %add3A_561, %get3A_566 : vector<16xf32>
      %get3A_568 = arith.constant 496 : index
      %get3A_569 = tpu.vector_load %arg12[%get3A_568] {strides = array<i32>} : memref<512xf32, #tpu.memory_space<vmem>>, vector<16xf32>,
      %add3A_570 = arith.addf %add3A_564, %get3A_569 : vector<16xf32>
      %mul3A_571 = arith.mulf %add3A_567, %add3A_570 : vector<16xf32>
      %reduce_sum3A_572 = arith.constant true
      %reduce_sum3A_573 = vector.broadcast %reduce_sum3A_572 : i1 to vector<16xi1>
      %reduce_sum3A_574 = tpu.scan <sum>, %mul3A_571 masked %reduce_sum3A_573 : vector<16xf32>, vector<16xi1> -> vector<16xf32>
      %reduce_sum3A_575 = vector.extract %reduce_sum3A_574[15] : f32 from vector<16xf32>
      %add3A_576 = arith.addf %add3A_548, %reduce_sum3A_575 : f32
      %mul3A_577 = arith.constant 1.86264511E-11 : f32
      %mul3A_578 = arith.mulf %add3A_576, %mul3A_577 : f32
      %eq3A_579 = arith.constant 0 : i32
      %eq3A_580 = vector.broadcast %eq3A_579 : i32 to vector<16xi32>
      %eq3A_581 = arith.cmpi eq, %iota3A, %eq3A_580 : vector<16xi32>
      %jit3A = arith.constant 0.000000e+00 : f32
      %broadcast_in_dim3A_582 = vector.broadcast %mul3A_578 : f32 to vector<16xf32>
      %broadcast_in_dim3A_583 = vector.broadcast %jit3A : f32 to vector<16xf32>
      %select_n3A_584 = arith.select %eq3A_581, %broadcast_in_dim3A_582, %broadcast_in_dim3A_583 : vector<16xi1>, vector<16xf32>
      %swap3A_585 = arith.constant 0 : index
      %swap3A_586 = tpu.vector_load %arg11[%swap3A_585] {strides = array<i32>} : memref<32xf32, #tpu.memory_space<vmem>>, vector<16xf32>,
      tpu.vector_store %arg11[%swap3A_585], %select_n3A_584 {strides = array<i32>} : memref<32xf32, #tpu.memory_space<vmem>>, vector<16xf32>,
      "tpu.region"() ({
        %run_scoped3A = tpu.sem_alloc : memref<!tpu.dma_semaphore, #tpu.memory_space<semaphore_mem>>
        %dma_start3A_587 = arith.constant 0 : i32
        %dma_start3A_588 = tpu.memref_slice %arg11[%dma_start3A_587] : memref<32xf32, #tpu.memory_space<vmem>> -> memref<16xf32, #tpu.memory_space<vmem>>
        %dma_start3A_589 = arith.constant 0 : i32
        %dma_start3A_590 = tpu.memref_slice %arg11[%dma_start3A_589] : memref<32xf32, #tpu.memory_space<vmem>> -> memref<16xf32, #tpu.memory_space<vmem>>
        tpu.enqueue_dma source(%dma_start3A_590 : memref<16xf32, #tpu.memory_space<vmem>>) target(%arg6 : memref<16xf32, #tpu.memory_space<hbm>>) target_semaphore(%run_scoped3A : memref<!tpu.dma_semaphore, #tpu.memory_space<semaphore_mem>>)
        %dma_wait3A_591 = arith.constant 0 : i32
        %dma_wait3A_592 = tpu.memref_slice %arg11[%dma_wait3A_591] : memref<32xf32, #tpu.memory_space<vmem>> -> memref<16xf32, #tpu.memory_space<vmem>>
        %dma_wait3A_593 = arith.constant 0 : i32
        %dma_wait3A_594 = tpu.memref_slice %arg11[%dma_wait3A_593] : memref<32xf32, #tpu.memory_space<vmem>> -> memref<16xf32, #tpu.memory_space<vmem>>
        tpu.wait_dma2 semaphore(%run_scoped3A : memref<!tpu.dma_semaphore, #tpu.memory_space<semaphore_mem>>) src(%dma_wait3A_594 : memref<16xf32, #tpu.memory_space<vmem>>) dst(%arg6 : memref<16xf32, #tpu.memory_space<hbm>>)
        tpu.yield
      }) : () -> ()
    } else {
    }
    return
  }
}

module attributes {stable_mosaic.version = 14 : i64} {
  func.func @_logits_body(%arg0: i32, %arg1: memref<2048x8xf32, #tpu.memory_space<vmem>>, %arg2: memref<1024x2048xf32, #tpu.memory_space<vmem>>, %arg3: memref<8x1024xf32, #tpu.memory_space<vmem>>) attributes {dimension_semantics = [#tpu.dimension_semantics<arbitrary>], iteration_bounds = array<i64: 32>, scalar_prefetch = 0 : i64, scratch_operands = 0 : i64, tpu.core_type = #tpu.core_type<tc>, window_params = [{pipeline_mode = #tpu.pipeline_mode<synchronous>, transform_indices = @transform_0, window_bounds = array<i64: 2048, 8>}, {transform_indices = @transform_1, window_bounds = array<i64: 1024, 2048>}, {transform_indices = @transform_2, window_bounds = array<i64: 8, 1024>}]} {
    %get3A = arith.constant 0 : index
    %get3A_0 = arith.constant 0 : index
    %get3A_1 = vector.load %arg2[%get3A, %get3A_0] : memref<1024x2048xf32, #tpu.memory_space<vmem>>, vector<1024x2048xf32>
    %convert_element_type3A = arith.truncf %get3A_1 : vector<1024x2048xf32> to vector<1024x2048xbf16>
    %get3A_2 = arith.constant 0 : index
    %get3A_3 = arith.constant 0 : index
    %get3A_4 = vector.load %arg1[%get3A_2, %get3A_3] : memref<2048x8xf32, #tpu.memory_space<vmem>>, vector<2048x8xf32>
    %convert_element_type3A_5 = arith.truncf %get3A_4 : vector<2048x8xf32> to vector<2048x8xbf16>
    %dot_general3A = arith.constant dense<0.000000e+00> : vector<1024x8xf32>
    %dot_general3A_6 = tpu.matmul %convert_element_type3A, %convert_element_type3A_5, %dot_general3A {dimension_numbers = #tpu.dot_dimension_numbers<[1], [0], [0], [1], [0, 0, 1, 1], [], []>, transpose_lhs_hint = false} : vector<1024x2048xbf16>, vector<2048x8xbf16>, vector<1024x8xf32> -> vector<1024x8xf32>
    %transpose3A = tpu.transpose %dot_general3A_6, [1, 0] : vector<1024x8xf32> -> vector<8x1024xf32>
    %swap3A = arith.constant 0 : index
    %swap3A_7 = arith.constant 0 : index
    %swap3A_8 = vector.load %arg3[%swap3A, %swap3A_7] : memref<8x1024xf32, #tpu.memory_space<vmem>>, vector<8x1024xf32>
    tpu.vector_store %arg3[%swap3A, %swap3A_7], %transpose3A {strides = array<i32>} : memref<8x1024xf32, #tpu.memory_space<vmem>>, vector<8x1024xf32>,
    return
  }
  func.func @transform_0(%arg0: i32) -> (i32, i32) {
    %c0_i32 = arith.constant 0 : i32
    %c0_i32_0 = arith.constant 0 : i32
    %c0_i32_1 = arith.constant 0 : i32
    return %c0_i32, %c0_i32_0 : i32, i32
  }
  func.func @transform_1(%arg0: i32) -> (i32, i32) {
    %c0_i32 = arith.constant 0 : i32
    %c0_i32_0 = arith.constant 0 : i32
    return %arg0, %c0_i32 : i32, i32
  }
  func.func @transform_2(%arg0: i32) -> (i32, i32) {
    %c0_i32 = arith.constant 0 : i32
    %c0_i32_0 = arith.constant 0 : i32
    return %c0_i32, %arg0 : i32, i32
  }
}

</mosaic_0001>

<sc_bundles>
// kernel: kernel.4.cloned.1.call-start
scs
__scs_entry_jumppad:
0x0: {  	(pc) =	sbr.rel $0x88, $3  }
0x1: {  	(tag) =	ssettag $0x0;
	lr =	simm.s32 $0x1  }
0x2: {  	[smem:$0x3F9E] =	sst lr;
	_ =	strace $0xD0000000  }
0x3: {  	_ = 	snop  }
0x4: {  	_ = 	snop  }
0x5: {  	_ = 	snop  }
0x6: {  	_ = 	snop  }
0x7: {  	_ = 	snop  }
__scs_overlays_trampoline_lowered:
0x8: {  	[smem:$0x3FAD] =	sst s0  }
0x9: {  	[smem:$0x3FAE] =	sst s1  }
0xa: {  	[smem:$0x3FAF] =	sst s2  }
0xb: {  	[smem:$0x3FB0] =	sst s3  }
0xc: {  	[smem:$0x3FB1] =	sst s4  }
0xd: {  	[smem:$0x3FB2] =	sst s5  }
0xe: {  	[smem:$0x3FB3] =	sst s6  }
0xf: {  	[smem:$0x3FB4] =	sst s7  }
0x10: {  	[smem:$0x3FB5] =	sst s8  }
0x11: {  	[smem:$0x3FB6] =	sst s9;
	s0 =	simm.s32 @!p0 $0x0  }
0x12: {  	s1 =	sld [smem:$0x3F9C];
	s0 =	simm.s32 @p0 $0x1  }
0x13: {  	[smem:$0x3FB7] =	sst s0;
	s0 =	simm.s32 @!p1 $0x0  }
0x14: {  	s2 =	sld [smem:$0x3F9B];
	s0 =	simm.s32 @p1 $0x1  }
0x15: {  	[smem:$0x3FB8] =	sst s0;
	s0 =	simm.s32 @!p2 $0x0  }
0x16: {  	s3 =	sld [smem:$0x3FDB];
	s0 =	simm.s32 @p2 $0x1  }
0x17: {  	s4 =	simm.s32 $0x1BF5;
	[smem:$0x3FBA] =	sst s0  }
0x18: {  	s0 =	sld [smem:$0x3F9D];
	_ =	swait.ge [sflag:s4], $0x0  }
0x19: {  	s7 =	sld [smem:$0x3F9E]  }
0x1a: {  	s8 =	sadd.s32 $0xFFFFE003, lr  }
0x1b: {  	s9 =	sadd.s32 $0xFFFFFEF7, lr;
	s5 =	simm.s32 $0xFFFFFFFF;
	p2 =	slt.u32 s8, $0xFFFFF086  }
0x1c: {  	p1 =	slt.u32 s9, $0xF7A;
	s5 =	simm.s32 @!p2 $0x0  }
0x1d: {  	s5 =	simm.s32 @p1 $0x1;
	p0 =	seq.s32 s7, s2  }
0x1e: {  	s7 =	smul.u32 @!p0 $0xF7A, s2;
	p2 =	seq.s32 @!p0 s5, $0x0  }
0x1f: {  	s9 =	smul.u32 $0xF7A, s1;
	s8 =	simm.s32 @!p0 $0x1BF5;
	p2 =	por !p2, p0  }
0x20: {  	[sflag:s8] =	ssyncset.s32 @!p0 $0xFFFFF086;
	s6 =	sadd.s32 @!p0 s3, s7;
	s7 =	simm.s32 @!p0 $0x108  }
0x21: {  	s3 =	sadd.s32 s3, s9;
	s6 =	sadd.s32 @!p0 $0x88, s6;
	s7 =	simm.s32 @p2 $0x1082  }
0x22: {  	[simem:s7], [sflag:s8] =	dma.local @!p0 [hbm:s6], $0xF7A  }
0x23: {  	s9 =	sor.u32 $0xD0000000, s2;
	s6 =	simm.s32 $0x108;
	_ =	swait.ge @!p0 [sflag:s8], $0x0  }
0x24: {  	s3 =	sadd.s32 $0x88, s3;
	s6 =	simm.s32 @!p1 $0x1082;
	[sflag:s4] =	ssyncset.s32 $0xFFFFF086  }
0x25: {  	[simem:s6], [sflag:s4] =	dma.local [hbm:s3], $0xF7A  }
0x26: {  	[smem:$0x3F9E] =	sst s1;
	(tag) =	ssettag s2;
	_ =	strace s9  }
0x27: {  	s1 =	sld [smem:$0x3FAE]  }
0x28: {  	s2 =	sld [smem:$0x3FAF]  }
0x29: {  	s4 =	sld [smem:$0x3FB1]  }
0x2a: {  	p0 =	seq.s32 s5, $0x0;
	s5 =	sld [smem:$0x3FB2]  }
0x2b: {  	s6 =	sld [smem:$0x3FB3]  }
0x2c: {  	s7 =	sld [smem:$0x3FB4]  }
0x2d: {  	s3 =	simm.s32 $0x108;
	s8 =	sld [smem:$0x3FB5]  }
0x2e: {  	s3 =	simm.s32 @!p0 $0x1082;
	s9 =	sld [smem:$0x3FB6]  }
0x2f: {  	lr =	sadd.s32 s0, s3;
	s0 =	sld [smem:$0x3FAD]  }
0x30: {  	s3 =	sld [smem:$0x3FB0]  }
0x31: {  	[smem:$0x3FB9] =	sst s10  }
0x32: {  	s10 =	sld [smem:$0x3FB7];
	_ =	sdelay $0x3  }
0x33: {  	p0 =	seq.s32 s10, $0x1;
	s10 =	sld [smem:$0x3FB9];
	_ =	sdelay $0x3  }
0x34: {  	[smem:$0x3FB9] =	sst s10  }
0x35: {  	s10 =	sld [smem:$0x3FB8];
	_ =	sdelay $0x3  }
0x36: {  	p1 =	seq.s32 s10, $0x1;
	s10 =	sld [smem:$0x3FB9];
	_ =	sdelay $0x3  }
0x37: {  	[smem:$0x3FB9] =	sst s10  }
0x38: {  	s10 =	sld [smem:$0x3FBA]  }
0x39: {  	_ = 	snop;
	(pc) =	sbr.ind lr, $3  }
0x3a: {  	_ = 	snop  }
0x3b: {  	_ = 	snop  }
0x3c: {  	p2 =	seq.s32 s10, $0x1;
	s10 =	sld [smem:$0x3FB9]  }
0x3d: {  	_ =	shalt  }
0x3e: {  	_ =	shalt  }
0x3f: {  	_ =	shalt  }
0x40: {  	_ =	shalt  }
0x41: {  	_ =	shalt  }
0x42: {  	_ =	shalt  }
0x43: {  	_ =	shalt  }
0x44: {  	_ =	shalt  }
0x45: {  	_ =	shalt  }
0x46: {  	_ =	shalt  }
0x47: {  	_ =	shalt  }
0x48: {  	_ =	shalt  }
0x49: {  	_ =	shalt  }
0x4a: {  	_ =	shalt  }
0x4b: {  	_ =	shalt  }
0x4c: {  	_ =	shalt  }
0x4d: {  	_ =	shalt  }
0x4e: {  	_ =	shalt  }
0x4f: {  	_ =	shalt  }
0x50: {  	_ =	shalt  }
0x51: {  	_ =	shalt  }
0x52: {  	_ =	shalt  }
0x53: {  	_ =	shalt  }
0x54: {  	_ =	shalt  }
0x55: {  	_ =	shalt  }
0x56: {  	_ =	shalt  }
0x57: {  	_ =	shalt  }
0x58: {  	_ =	shalt  }
0x59: {  	_ =	shalt  }
0x5a: {  	_ =	shalt  }
0x5b: {  	_ =	shalt  }
0x5c: {  	_ =	shalt  }
0x5d: {  	_ =	shalt  }
0x5e: {  	_ =	shalt  }
0x5f: {  	_ =	shalt  }
0x60: {  	_ =	shalt  }
0x61: {  	_ =	shalt  }
0x62: {  	_ =	shalt  }
0x63: {  	_ =	shalt  }
0x64: {  	_ =	shalt  }
0x65: {  	_ =	shalt  }
0x66: {  	_ =	shalt  }
0x67: {  	_ =	shalt  }
0x68: {  	_ =	shalt  }
0x69: {  	_ =	shalt  }
0x6a: {  	_ =	shalt  }
0x6b: {  	_ =	shalt  }
0x6c: {  	_ =	shalt  }
0x6d: {  	_ =	shalt  }
0x6e: {  	_ =	shalt  }
0x6f: {  	_ =	shalt  }
0x70: {  	_ =	shalt  }
0x71: {  	_ =	shalt  }
0x72: {  	_ =	shalt  }
0x73: {  	_ =	shalt  }
0x74: {  	_ =	shalt  }
0x75: {  	_ =	shalt  }
0x76: {  	_ =	shalt  }
0x77: {  	_ =	shalt  }
0x78: {  	_ =	shalt  }
0x79: {  	_ =	shalt  }
0x7a: {  	_ =	shalt  }
0x7b: {  	_ =	shalt  }
0x7c: {  	_ =	shalt  }
0x7d: {  	_ =	shalt  }
0x7e: {  	_ =	shalt  }
0x7f: {  	_ =	shalt  }
0x80: {  	_ =	shalt  }
0x81: {  	_ =	shalt  }
0x82: {  	_ =	shalt  }
0x83: {  	_ =	shalt  }
0x84: {  	_ =	shalt  }
0x85: {  	_ =	shalt  }
0x86: {  	_ =	shalt  }
0x87: {  	_ =	shalt  }
.Lfunc_end0:
.L_simem_size_0:
called_computation_lowered:
.L_overlay_start_0:
0x88: {  	s0 =	sld [smem:$0x3FD9]  }
0x89: {  	s1 =	sld [smem:$0x3FFE];
	_ =	sdelay $0x3  }
0x8a: {  	s0 =	sadd.s32 s1, s0  }
0x8b: {  	[smem:$0x3FC5] =	sst s0  }
0x8c: {  	_ = 	snop  }
0x8d: {  	s0 =	sld [smem:$0x3FD0];
	_ =	sdelay $0x2  }
0x8e: {  	s13 =	simm.s32 $0xA;
	s2 =	simm.s32 $0x10  }
0x8f: {  	[smem:s2], [sflag:s13] =	dma.local [hbm:s0], $0x1  }
0x90: {  	_ =	swait.eq [sflag:s13], $0x1  }
0x91: {  	s14 =	sld [smem:$0x10];
	[sflag:s13] =	ssyncset.done $0x0  }
0x92: {  	s15 =	sld [smem:$0x11];
	[sflag:s13] =	ssyncadd.s32 $0xFFFFFFFF  }
0x93: {  	s16 =	sld [smem:$0x12];
	(tm) =	ssettm $0x1  }
0x94: {  	s3 =	sld [smem:$0x3FFB];
	_ =	sdelay $0x3  }
0x95: {  	_ =	strace s3  }
0x96: {  	s3 =	sld [smem:$0x3FFC];
	_ =	sdelay $0x3  }
0x97: {  	_ =	strace s3  }
0x98: {  	s3 =	sld [smem:$0x3FFD];
	_ =	sdelay $0x3  }
0x99: {  	_ =	strace s3  }
0x9a: {  	_ =	strace $0x8FFFFFFF  }
0x9b: {  	s17 =	sld [smem:$0x3FDB];
	_ =	sdelay $0x1  }
0x9c: {  	s4 =	simm.s32 $_scs_section_size  }
0x9d: {  	s5 =	simm.s32 $_size__tile_overlayer_lowered;
	s6 =	simm.s32 $_tile_overlayer_lowered  }
0x9e: {  	s20 =	simm.s32 $0x1BFF;
	s19 =	sshll.u32 s6, $0x1;
	s3 =	sadd.s32 s4, s17  }
0x9f: {  	s7 =	simm.s32 $0x0;
	s18 =	sshll.u32 s5, $0x1;
	s5 =	sadd.s32 s19, s3  }
0xa0: {  	[timem:s7], [sflag:s20] =	dma.local [hbm:s5], s18  }
0xa1: {  	_ =	swait.ge [sflag:s20], s18  }
0xa2: {  	s4 =	ssub.s32 $0x0, s18;
	[sflag:s20] =	ssyncset.done $0x0  }
0xa3: {  	[sflag:s20] =	ssyncadd.s32 s4;
	_ =	sdelay $0x1  }
0xa4: {  	s21 =	simm.s32 $0x1B8B  }
0xa5: {  	_ =	swait.ge [sflag:s21], $0x1  }
0xa6: {  	[sflag:s21] =	ssyncset.done $0x0  }
0xa7: {  	s23 =	simm.s32 $0x1B8E;
	s22 =	sld [smem:$0x3FFE];
	[sflag:s21] =	ssyncadd.s32 $0xFFFFFFFF  }
0xa8: {  	s24 =	simm.s32 $execute0_lowered;
	[smem:$0x3FD2] =	sst s23  }
0xa9: {  	s5 =	sshll.u32 s24, $0x1;
	_ =	strace $0x80000046;
	[dreg:$0x1] =	wrdreg $0xFFFFFFFF  }
0xaa: {  	s25 =	simm.s32 $_size_execute0_lowered;
	s3 =	sadd.s32 s3, s5;
	[dreg:$0x0] =	wrdreg $0x0  }
0xab: {  	s5 =	sshll.u32 s25, $0x1;
	[dreg:$0x2] =	wrdreg s3  }
0xac: {  	[dreg:$0x3] =	wrdreg s5  }
0xad: {  	[dreg:$0x4] =	wrdreg $0xC0  }
0xae: {  	_ =	task [dreg:s7], $0x5FFFF  }
0xaf: {  	[dreg:$0x1] =	wrdreg $0xFFFFFFFF  }
0xb0: {  	[dreg:$0x0] =	wrdreg $0x60  }
0xb1: {  	[dreg:$0x2] =	wrdreg s22  }
0xb2: {  	[dreg:$0x3] =	wrdreg s14  }
0xb3: {  	[dreg:$0x4] =	wrdreg s15  }
0xb4: {  	[dreg:$0x5] =	wrdreg s16  }
0xb5: {  	[dreg:$0x6] =	wrdreg $0x63000  }
0xb6: {  	[dreg:$0x7] =	wrdreg $0x9  }
0xb7: {  	_ =	task.clear_ibuf [dreg:s7], $0x8FFFF;
	_ =	strace $0x90000046  }
0xb8: {  	s26 =	simm.s32 $0x9;
	_ =	strace $0x80000048  }
0xb9: {  	_ =	swait.ge [sflag:s26], $0x1  }
0xba: {  	[sflag:s26] =	ssyncadd.s32 $0xFFFFFFFF  }
0xbb: {  	_ =	strace $0x90000048  }
0xbc: {  	_ =	sfence  }
0xbd: {  	s28 =	sld [smem:$0x0];
	_ =	sdelay $0x1  }
0xbe: {  	s29 =	srdreg.scid  }
0xbf: {  	s30 =	sshll.u32 s29, $0xD;
	s31 =	sshrl.u32 s29, $0x2  }
0xc0: {  	s1 =	sand.u32 $0x1, s29;
	s2 =	sand.u32 $0x4000, s30;
	s0 =	sadd.s32 s31, s28  }
0xc1: {  	s1 =	sor.u32 s2, s1;
	s0 =	sshll.u32 s0, $0x11  }
0xc2: {  	s0 =	sor.u32 s0, s1  }
0xc3: {  	s0 =	sadd.s32 $0x8F2B, s0  }
0xc4: {  	[sflag:s0] =	ssyncadd.remote.s32 $0x1  }
0xc5: {  	_ =	sfence.sel $0xFFFF  }
0xc6: {  	[dreg:$0x0] =	wrdreg $0xFFFFFFFF;
	(pc) =	sbr.abs _section_cstart, $3  }
0xc7: {  	[dreg:$0x1] =	wrdreg $0xFFFFFFFF  }
0xc8: {  	_ =	task.clear_ibuf [dreg:s7], $0x2FFFF;
	_ =	strace $0x9FFFFFFF  }
0xc9: {  	(tm) =	ssettm $0x7FFFFFFF  }
tec
execute0_lowered:
.L_overlay_start_1:
0x0: {  	(tag) =	ssettag $0x1  }
0x1: {  	s7 =	rddreg [dreg:$0x0]  }
0x2: {  	s5 =	rddreg [dreg:$0x1]  }
0x3: {  	s4 =	rddreg [dreg:$0x2]  }
0x4: {  	s1 =	rddreg [dreg:$0x3];
	s3 =	stileid.u32  }
0x5: {  	s2 =	rddreg [dreg:$0x4];
	s6 =	simm.s32 $0x0;
	s8 =	sshll.u32 s3, $0xB  }
0x6: {  	[smem:$0x7FF] =	sst s6;
	s8 =	sadd.s32 s8, s7  }
0x7: {  	s0 =	rddreg [dreg:$0x5];
	_ =	strace $0x80000047;
	s9 =	sadd.s32 $0xC00, s8  }
0x8: {  	[tilespmem:s6], [sflag:$0x1] =	stream.linear.gather [hbm4b:s9+s6], $0x80, $0x38;
	[tilespmem:$0x6320] =	vst v63  }
0x9: {  	s10 =	simm.s32 $0x400;
	s16 =	sadd.s32 $0xC80, s8  }
0xa: {  	[tilespmem:s10], [sflag:$0x1] =	stream.linear.gather [hbm4b:s16+s6], $0x80, $0x38;
	[tilespmem:$0x6320] =	vst v63  }
0xb: {  	s18 =	simm.s32 $0x800;
	s17 =	sadd.s32 $0xD00, s8  }
0xc: {  	[tilespmem:s18], [sflag:$0x1] =	stream.linear.gather [hbm4b:s17+s6], $0x80, $0x38;
	[tilespmem:$0x6320] =	vst v63  }
0xd: {  	s20 =	simm.s32 $0xC00;
	s19 =	sadd.s32 $0xD80, s8  }
0xe: {  	[tilespmem:s20], [sflag:$0x1] =	stream.linear.gather [hbm4b:s19+s6], $0x80, $0x38;
	[tilespmem:$0x6320] =	vst v63  }
0xf: {  	s22 =	simm.s32 $0x1000;
	s21 =	sadd.s32 $0xE00, s8  }
0x10: {  	[tilespmem:s22], [sflag:$0x1] =	stream.linear.gather [hbm4b:s21+s6], $0x80, $0x38;
	[tilespmem:$0x6320] =	vst v63  }
0x11: {  	s24 =	simm.s32 $0x1400;
	s23 =	sadd.s32 $0xE80, s8  }
0x12: {  	[tilespmem:s24], [sflag:$0x1] =	stream.linear.gather [hbm4b:s23+s6], $0x80, $0x38;
	[tilespmem:$0x6320] =	vst v63  }
0x13: {  	s26 =	simm.s32 $0x1800;
	s25 =	sadd.s32 $0xF00, s8  }
0x14: {  	[tilespmem:s26], [sflag:$0x1] =	stream.linear.gather [hbm4b:s25+s6], $0x80, $0x38;
	[tilespmem:$0x6320] =	vst v63  }
0x15: {  	s29 =	simm.s32 $0x1C00;
	s28 =	sadd.s32 $0xF80, s8  }
0x16: {  	[tilespmem:s29], [sflag:$0x1] =	stream.linear.gather [hbm4b:s28+s6], $0x80, $0x38;
	[tilespmem:$0x6320] =	vst v63  }
0x17: {  	s31 =	simm.s32 $0x2000;
	s30 =	sadd.s32 $0x1000, s8  }
0x18: {  	[tilespmem:s31], [sflag:$0x1] =	stream.linear.gather [hbm4b:s30+s6], $0x80, $0x38;
	[tilespmem:$0x6320] =	vst v63  }
0x19: {  	s12 =	simm.s32 $0x2400;
	s11 =	sadd.s32 $0x1080, s8  }
0x1a: {  	[tilespmem:s12], [sflag:$0x1] =	stream.linear.gather [hbm4b:s11+s6], $0x80, $0x38;
	[tilespmem:$0x6320] =	vst v63  }
0x1b: {  	s14 =	simm.s32 $0x2800;
	s13 =	sadd.s32 $0x1100, s8  }
0x1c: {  	[tilespmem:s14], [sflag:$0x1] =	stream.linear.gather [hbm4b:s13+s6], $0x80, $0x38;
	[tilespmem:$0x6320] =	vst v63  }
0x1d: {  	s15 =	sadd.s32 $0x1180, s8;
	s16 =	simm.s32 $0x2C00  }
0x1e: {  	[tilespmem:s16], [sflag:$0x1] =	stream.linear.gather [hbm4b:s15+s6], $0x80, $0x38;
	[tilespmem:$0x6320] =	vst v63  }
0x1f: {  	s17 =	sadd.s32 $0x1200, s8;
	s18 =	simm.s32 $0x3000  }
0x20: {  	[tilespmem:s18], [sflag:$0x1] =	stream.linear.gather [hbm4b:s17+s6], $0x80, $0x38;
	[tilespmem:$0x6320] =	vst v63  }
0x21: {  	s19 =	sadd.s32 $0x1280, s8;
	s20 =	simm.s32 $0x3400  }
0x22: {  	[tilespmem:s20], [sflag:$0x1] =	stream.linear.gather [hbm4b:s19+s6], $0x80, $0x38;
	[tilespmem:$0x6320] =	vst v63  }
0x23: {  	s21 =	sadd.s32 $0x1300, s8;
	s22 =	simm.s32 $0x3800  }
0x24: {  	[tilespmem:s22], [sflag:$0x1] =	stream.linear.gather [hbm4b:s21+s6], $0x80, $0x38;
	[tilespmem:$0x6320] =	vst v63  }
0x25: {  	s23 =	sadd.s32 $0x1380, s8;
	s24 =	simm.s32 $0x3C00  }
0x26: {  	[tilespmem:s24], [sflag:$0x1] =	stream.linear.gather [hbm4b:s23+s6], $0x80, $0x38;
	[tilespmem:$0x6320] =	vst v63  }
0x27: {  	s25 =	sadd.s32 $0xC10, s8;
	s26 =	simm.s32 $0x80  }
0x28: {  	[tilespmem:s26], [sflag:$0x1] =	stream.linear.gather [hbm4b:s25+s6], $0x80, $0x38;
	[tilespmem:$0x6320] =	vst v63  }
0x29: {  	s28 =	sadd.s32 $0xC90, s8;
	s29 =	simm.s32 $0x480  }
0x2a: {  	[tilespmem:s29], [sflag:$0x1] =	stream.linear.gather [hbm4b:s28+s6], $0x80, $0x38;
	[tilespmem:$0x6320] =	vst v63  }
0x2b: {  	s30 =	sadd.s32 $0xD10, s8;
	s31 =	simm.s32 $0x880  }
0x2c: {  	[tilespmem:s31], [sflag:$0x1] =	stream.linear.gather [hbm4b:s30+s6], $0x80, $0x38;
	[tilespmem:$0x6320] =	vst v63  }
0x2d: {  	s11 =	sadd.s32 $0xD90, s8;
	s12 =	simm.s32 $0xC80  }
0x2e: {  	[tilespmem:s12], [sflag:$0x1] =	stream.linear.gather [hbm4b:s11+s6], $0x80, $0x38;
	[tilespmem:$0x6320] =	vst v63  }
0x2f: {  	s13 =	sadd.s32 $0xE10, s8;
	s14 =	simm.s32 $0x1080  }
0x30: {  	[tilespmem:s14], [sflag:$0x1] =	stream.linear.gather [hbm4b:s13+s6], $0x80, $0x38;
	[tilespmem:$0x6320] =	vst v63  }
0x31: {  	s15 =	sadd.s32 $0xE90, s8;
	s16 =	simm.s32 $0x1480  }
0x32: {  	[tilespmem:s16], [sflag:$0x1] =	stream.linear.gather [hbm4b:s15+s6], $0x80, $0x38;
	[tilespmem:$0x6320] =	vst v63  }
0x33: {  	s17 =	sadd.s32 $0xF10, s8;
	s18 =	simm.s32 $0x1880  }
0x34: {  	[tilespmem:s18], [sflag:$0x1] =	stream.linear.gather [hbm4b:s17+s6], $0x80, $0x38;
	[tilespmem:$0x6320] =	vst v63  }
0x35: {  	s19 =	sadd.s32 $0xF90, s8;
	s20 =	simm.s32 $0x1C80  }
0x36: {  	[tilespmem:s20], [sflag:$0x1] =	stream.linear.gather [hbm4b:s19+s6], $0x80, $0x38;
	[tilespmem:$0x6320] =	vst v63  }
0x37: {  	s21 =	sadd.s32 $0x1010, s8;
	s22 =	simm.s32 $0x2080  }
0x38: {  	[tilespmem:s22], [sflag:$0x1] =	stream.linear.gather [hbm4b:s21+s6], $0x80, $0x38;
	[tilespmem:$0x6320] =	vst v63  }
0x39: {  	s23 =	sadd.s32 $0x1090, s8;
	s24 =	simm.s32 $0x2480  }
0x3a: {  	[tilespmem:s24], [sflag:$0x1] =	stream.linear.gather [hbm4b:s23+s6], $0x80, $0x38;
	[tilespmem:$0x6320] =	vst v63  }
0x3b: {  	s25 =	sadd.s32 $0x1110, s8;
	s26 =	simm.s32 $0x2880  }
0x3c: {  	[tilespmem:s26], [sflag:$0x1] =	stream.linear.gather [hbm4b:s25+s6], $0x80, $0x38;
	[tilespmem:$0x6320] =	vst v63  }
0x3d: {  	s28 =	sadd.s32 $0x1190, s8;
	s29 =	simm.s32 $0x2C80  }
0x3e: {  	[tilespmem:s29], [sflag:$0x1] =	stream.linear.gather [hbm4b:s28+s6], $0x80, $0x38;
	[tilespmem:$0x6320] =	vst v63  }
0x3f: {  	s30 =	sadd.s32 $0x1210, s8;
	s31 =	simm.s32 $0x3080  }
0x40: {  	[tilespmem:s31], [sflag:$0x1] =	stream.linear.gather [hbm4b:s30+s6], $0x80, $0x38;
	[tilespmem:$0x6320] =	vst v63  }
0x41: {  	s11 =	sadd.s32 $0x1290, s8;
	s12 =	simm.s32 $0x3480  }
0x42: {  	[tilespmem:s12], [sflag:$0x1] =	stream.linear.gather [hbm4b:s11+s6], $0x80, $0x38;
	[tilespmem:$0x6320] =	vst v63  }
0x43: {  	s13 =	sadd.s32 $0x1310, s8;
	s14 =	simm.s32 $0x3880  }
0x44: {  	[tilespmem:s14], [sflag:$0x1] =	stream.linear.gather [hbm4b:s13+s6], $0x80, $0x38;
	[tilespmem:$0x6320] =	vst v63  }
0x45: {  	s15 =	sadd.s32 $0x1390, s8;
	s16 =	simm.s32 $0x3C80  }
0x46: {  	[tilespmem:s16], [sflag:$0x1] =	stream.linear.gather [hbm4b:s15+s6], $0x80, $0x38;
	[tilespmem:$0x6320] =	vst v63  }
0x47: {  	s17 =	sadd.s32 $0xC20, s8;
	s18 =	simm.s32 $0x100  }
0x48: {  	[tilespmem:s18], [sflag:$0x1] =	stream.linear.gather [hbm4b:s17+s6], $0x80, $0x38;
	[tilespmem:$0x6320] =	vst v63  }
0x49: {  	s19 =	sadd.s32 $0xCA0, s8;
	s20 =	simm.s32 $0x500  }
0x4a: {  	[tilespmem:s20], [sflag:$0x1] =	stream.linear.gather [hbm4b:s19+s6], $0x80, $0x38;
	[tilespmem:$0x6320] =	vst v63  }
0x4b: {  	s21 =	sadd.s32 $0xD20, s8;
	s22 =	simm.s32 $0x900  }
0x4c: {  	[tilespmem:s22], [sflag:$0x1] =	stream.linear.gather [hbm4b:s21+s6], $0x80, $0x38;
	[tilespmem:$0x6320] =	vst v63  }
0x4d: {  	s23 =	sadd.s32 $0xDA0, s8;
	s24 =	simm.s32 $0xD00  }
0x4e: {  	[tilespmem:s24], [sflag:$0x1] =	stream.linear.gather [hbm4b:s23+s6], $0x80, $0x38;
	[tilespmem:$0x6320] =	vst v63  }
0x4f: {  	s25 =	sadd.s32 $0xE20, s8;
	s26 =	simm.s32 $0x1100  }
0x50: {  	[tilespmem:s26], [sflag:$0x1] =	stream.linear.gather [hbm4b:s25+s6], $0x80, $0x38;
	[tilespmem:$0x6320] =	vst v63  }
0x51: {  	s28 =	sadd.s32 $0xEA0, s8;
	s29 =	simm.s32 $0x1500  }
0x52: {  	[tilespmem:s29], [sflag:$0x1] =	stream.linear.gather [hbm4b:s28+s6], $0x80, $0x38;
	[tilespmem:$0x6320] =	vst v63  }
0x53: {  	s30 =	sadd.s32 $0xF20, s8;
	s31 =	simm.s32 $0x1900  }
0x54: {  	[tilespmem:s31], [sflag:$0x1] =	stream.linear.gather [hbm4b:s30+s6], $0x80, $0x38;
	[tilespmem:$0x6320] =	vst v63  }
0x55: {  	s11 =	sadd.s32 $0xFA0, s8;
	s12 =	simm.s32 $0x1D00  }
0x56: {  	[tilespmem:s12], [sflag:$0x1] =	stream.linear.gather [hbm4b:s11+s6], $0x80, $0x38;
	[tilespmem:$0x6320] =	vst v63  }
0x57: {  	s13 =	sadd.s32 $0x1020, s8;
	s14 =	simm.s32 $0x2100  }
0x58: {  	[tilespmem:s14], [sflag:$0x1] =	stream.linear.gather [hbm4b:s13+s6], $0x80, $0x38;
	[tilespmem:$0x6320] =	vst v63  }
0x59: {  	s15 =	sadd.s32 $0x10A0, s8;
	s16 =	simm.s32 $0x2500  }
0x5a: {  	[tilespmem:s16], [sflag:$0x1] =	stream.linear.gather [hbm4b:s15+s6], $0x80, $0x38;
	[tilespmem:$0x6320] =	vst v63  }
0x5b: {  	s17 =	sadd.s32 $0x1120, s8;
	s18 =	simm.s32 $0x2900  }
0x5c: {  	[tilespmem:s18], [sflag:$0x1] =	stream.linear.gather [hbm4b:s17+s6], $0x80, $0x38;
	[tilespmem:$0x6320] =	vst v63  }
0x5d: {  	s19 =	sadd.s32 $0x11A0, s8;
	s20 =	simm.s32 $0x2D00  }
0x5e: {  	[tilespmem:s20], [sflag:$0x1] =	stream.linear.gather [hbm4b:s19+s6], $0x80, $0x38;
	[tilespmem:$0x6320] =	vst v63  }
0x5f: {  	s21 =	sadd.s32 $0x1220, s8;
	s22 =	simm.s32 $0x3100  }
0x60: {  	[tilespmem:s22], [sflag:$0x1] =	stream.linear.gather [hbm4b:s21+s6], $0x80, $0x38;
	[tilespmem:$0x6320] =	vst v63  }
0x61: {  	s23 =	sadd.s32 $0x12A0, s8;
	s24 =	simm.s32 $0x3500  }
0x62: {  	[tilespmem:s24], [sflag:$0x1] =	stream.linear.gather [hbm4b:s23+s6], $0x80, $0x38;
	[tilespmem:$0x6320] =	vst v63  }
0x63: {  	s25 =	sadd.s32 $0x1320, s8;
	s26 =	simm.s32 $0x3900  }
0x64: {  	[tilespmem:s26], [sflag:$0x1] =	stream.linear.gather [hbm4b:s25+s6], $0x80, $0x38;
	[tilespmem:$0x6320] =	vst v63  }
0x65: {  	s28 =	sadd.s32 $0x13A0, s8;
	s29 =	simm.s32 $0x3D00  }
0x66: {  	[tilespmem:s29], [sflag:$0x1] =	stream.linear.gather [hbm4b:s28+s6], $0x80, $0x38;
	[tilespmem:$0x6320] =	vst v63  }
0x67: {  	s30 =	sadd.s32 $0xC30, s8;
	s31 =	simm.s32 $0x180  }
0x68: {  	[tilespmem:s31], [sflag:$0x1] =	stream.linear.gather [hbm4b:s30+s6], $0x80, $0x38;
	[tilespmem:$0x6320] =	vst v63  }
0x69: {  	s11 =	sadd.s32 $0xCB0, s8;
	s12 =	simm.s32 $0x580  }
0x6a: {  	[tilespmem:s12], [sflag:$0x1] =	stream.linear.gather [hbm4b:s11+s6], $0x80, $0x38;
	[tilespmem:$0x6320] =	vst v63  }
0x6b: {  	s13 =	sadd.s32 $0xD30, s8;
	s14 =	simm.s32 $0x980  }
0x6c: {  	[tilespmem:s14], [sflag:$0x1] =	stream.linear.gather [hbm4b:s13+s6], $0x80, $0x38;
	[tilespmem:$0x6320] =	vst v63  }
0x6d: {  	s15 =	sadd.s32 $0xDB0, s8;
	s16 =	simm.s32 $0xD80  }
0x6e: {  	[tilespmem:s16], [sflag:$0x1] =	stream.linear.gather [hbm4b:s15+s6], $0x80, $0x38;
	[tilespmem:$0x6320] =	vst v63  }
0x6f: {  	s17 =	sadd.s32 $0xE30, s8;
	s18 =	simm.s32 $0x1180  }
0x70: {  	[tilespmem:s18], [sflag:$0x1] =	stream.linear.gather [hbm4b:s17+s6], $0x80, $0x38;
	[tilespmem:$0x6320] =	vst v63  }
0x71: {  	s19 =	sadd.s32 $0xEB0, s8;
	s20 =	simm.s32 $0x1580  }
0x72: {  	[tilespmem:s20], [sflag:$0x1] =	stream.linear.gather [hbm4b:s19+s6], $0x80, $0x38;
	[tilespmem:$0x6320] =	vst v63  }
0x73: {  	s21 =	sadd.s32 $0xF30, s8;
	s22 =	simm.s32 $0x1980  }
0x74: {  	[tilespmem:s22], [sflag:$0x1] =	stream.linear.gather [hbm4b:s21+s6], $0x80, $0x38;
	[tilespmem:$0x6320] =	vst v63  }
0x75: {  	s23 =	sadd.s32 $0xFB0, s8;
	s24 =	simm.s32 $0x1D80  }
0x76: {  	[tilespmem:s24], [sflag:$0x1] =	stream.linear.gather [hbm4b:s23+s6], $0x80, $0x38;
	[tilespmem:$0x6320] =	vst v63  }
0x77: {  	s25 =	sadd.s32 $0x1030, s8;
	s26 =	simm.s32 $0x2180  }
0x78: {  	[tilespmem:s26], [sflag:$0x1] =	stream.linear.gather [hbm4b:s25+s6], $0x80, $0x38;
	[tilespmem:$0x6320] =	vst v63  }
0x79: {  	s28 =	sadd.s32 $0x10B0, s8;
	s29 =	simm.s32 $0x2580  }
0x7a: {  	[tilespmem:s29], [sflag:$0x1] =	stream.linear.gather [hbm4b:s28+s6], $0x80, $0x38;
	[tilespmem:$0x6320] =	vst v63  }
0x7b: {  	s30 =	sadd.s32 $0x1130, s8;
	s31 =	simm.s32 $0x2980  }
0x7c: {  	[tilespmem:s31], [sflag:$0x1] =	stream.linear.gather [hbm4b:s30+s6], $0x80, $0x38;
	[tilespmem:$0x6320] =	vst v63  }
0x7d: {  	s11 =	sadd.s32 $0x11B0, s8;
	s12 =	simm.s32 $0x2D80  }
0x7e: {  	[tilespmem:s12], [sflag:$0x1] =	stream.linear.gather [hbm4b:s11+s6], $0x80, $0x38;
	[tilespmem:$0x6320] =	vst v63  }
0x7f: {  	s13 =	sadd.s32 $0x1230, s8;
	s14 =	simm.s32 $0x3180  }
0x80: {  	[tilespmem:s14], [sflag:$0x1] =	stream.linear.gather [hbm4b:s13+s6], $0x80, $0x38;
	[tilespmem:$0x6320] =	vst v63  }
0x81: {  	s15 =	sadd.s32 $0x12B0, s8;
	s16 =	simm.s32 $0x3580  }
0x82: {  	[tilespmem:s16], [sflag:$0x1] =	stream.linear.gather [hbm4b:s15+s6], $0x80, $0x38;
	[tilespmem:$0x6320] =	vst v63  }
0x83: {  	s17 =	sadd.s32 $0x1330, s8;
	s18 =	simm.s32 $0x3980  }
0x84: {  	[tilespmem:s18], [sflag:$0x1] =	stream.linear.gather [hbm4b:s17+s6], $0x80, $0x38;
	[tilespmem:$0x6320] =	vst v63  }
0x85: {  	s19 =	sadd.s32 $0x13B0, s8;
	s20 =	simm.s32 $0x3D80  }
0x86: {  	[tilespmem:s20], [sflag:$0x1] =	stream.linear.gather [hbm4b:s19+s6], $0x80, $0x38;
	[tilespmem:$0x6320] =	vst v63  }
0x87: {  	s21 =	sadd.s32 $0xC40, s8;
	s22 =	simm.s32 $0x200  }
0x88: {  	[tilespmem:s22], [sflag:$0x1] =	stream.linear.gather [hbm4b:s21+s6], $0x80, $0x38;
	[tilespmem:$0x6320] =	vst v63  }
0x89: {  	s23 =	sadd.s32 $0xCC0, s8;
	s24 =	simm.s32 $0x600  }
0x8a: {  	[tilespmem:s24], [sflag:$0x1] =	stream.linear.gather [hbm4b:s23+s6], $0x80, $0x38;
	[tilespmem:$0x6320] =	vst v63  }
0x8b: {  	s25 =	sadd.s32 $0xD40, s8;
	s26 =	simm.s32 $0xA00  }
0x8c: {  	[tilespmem:s26], [sflag:$0x1] =	stream.linear.gather [hbm4b:s25+s6], $0x80, $0x38;
	[tilespmem:$0x6320] =	vst v63  }
0x8d: {  	s28 =	sadd.s32 $0xDC0, s8;
	s29 =	simm.s32 $0xE00  }
0x8e: {  	[tilespmem:s29], [sflag:$0x1] =	stream.linear.gather [hbm4b:s28+s6], $0x80, $0x38;
	[tilespmem:$0x6320] =	vst v63  }
0x8f: {  	s30 =	sadd.s32 $0xE40, s8;
	s31 =	simm.s32 $0x1200  }
0x90: {  	[tilespmem:s31], [sflag:$0x1] =	stream.linear.gather [hbm4b:s30+s6], $0x80, $0x38;
	[tilespmem:$0x6320] =	vst v63  }
0x91: {  	s11 =	sadd.s32 $0xEC0, s8;
	s12 =	simm.s32 $0x1600  }
0x92: {  	[tilespmem:s12], [sflag:$0x1] =	stream.linear.gather [hbm4b:s11+s6], $0x80, $0x38;
	[tilespmem:$0x6320] =	vst v63  }
0x93: {  	s13 =	sadd.s32 $0xF40, s8;
	s14 =	simm.s32 $0x1A00  }
0x94: {  	[tilespmem:s14], [sflag:$0x1] =	stream.linear.gather [hbm4b:s13+s6], $0x80, $0x38;
	[tilespmem:$0x6320] =	vst v63  }
0x95: {  	s15 =	sadd.s32 $0xFC0, s8;
	s16 =	simm.s32 $0x1E00  }
0x96: {  	[tilespmem:s16], [sflag:$0x1] =	stream.linear.gather [hbm4b:s15+s6], $0x80, $0x38;
	[tilespmem:$0x6320] =	vst v63  }
0x97: {  	s17 =	sadd.s32 $0x1040, s8;
	s18 =	simm.s32 $0x2200  }
0x98: {  	[tilespmem:s18], [sflag:$0x1] =	stream.linear.gather [hbm4b:s17+s6], $0x80, $0x38;
	[tilespmem:$0x6320] =	vst v63  }
0x99: {  	s19 =	sadd.s32 $0x10C0, s8;
	s20 =	simm.s32 $0x2600  }
0x9a: {  	[tilespmem:s20], [sflag:$0x1] =	stream.linear.gather [hbm4b:s19+s6], $0x80, $0x38;
	[tilespmem:$0x6320] =	vst v63  }
0x9b: {  	s21 =	sadd.s32 $0x1140, s8;
	s22 =	simm.s32 $0x2A00  }
0x9c: {  	[tilespmem:s22], [sflag:$0x1] =	stream.linear.gather [hbm4b:s21+s6], $0x80, $0x38;
	[tilespmem:$0x6320] =	vst v63  }
0x9d: {  	s23 =	sadd.s32 $0x11C0, s8;
	s24 =	simm.s32 $0x2E00  }
0x9e: {  	[tilespmem:s24], [sflag:$0x1] =	stream.linear.gather [hbm4b:s23+s6], $0x80, $0x38;
	[tilespmem:$0x6320] =	vst v63  }
0x9f: {  	s25 =	sadd.s32 $0x1240, s8;
	s26 =	simm.s32 $0x3200  }
0xa0: {  	[tilespmem:s26], [sflag:$0x1] =	stream.linear.gather [hbm4b:s25+s6], $0x80, $0x38;
	[tilespmem:$0x6320] =	vst v63  }
0xa1: {  	s28 =	sadd.s32 $0x12C0, s8;
	s29 =	simm.s32 $0x3600  }
0xa2: {  	[tilespmem:s29], [sflag:$0x1] =	stream.linear.gather [hbm4b:s28+s6], $0x80, $0x38;
	[tilespmem:$0x6320] =	vst v63  }
0xa3: {  	s30 =	sadd.s32 $0x1340, s8;
	s31 =	simm.s32 $0x3A00  }
0xa4: {  	[tilespmem:s31], [sflag:$0x1] =	stream.linear.gather [hbm4b:s30+s6], $0x80, $0x38;
	[tilespmem:$0x6320] =	vst v63  }
0xa5: {  	s11 =	sadd.s32 $0x13C0, s8;
	s12 =	simm.s32 $0x3E00  }
0xa6: {  	[tilespmem:s12], [sflag:$0x1] =	stream.linear.gather [hbm4b:s11+s6], $0x80, $0x38;
	[tilespmem:$0x6320] =	vst v63  }
0xa7: {  	s13 =	sadd.s32 $0xC50, s8;
	s14 =	simm.s32 $0x280  }
0xa8: {  	[tilespmem:s14], [sflag:$0x1] =	stream.linear.gather [hbm4b:s13+s6], $0x80, $0x38;
	[tilespmem:$0x6320] =	vst v63  }
0xa9: {  	s15 =	sadd.s32 $0xCD0, s8;
	s16 =	simm.s32 $0x680  }
0xaa: {  	[tilespmem:s16], [sflag:$0x1] =	stream.linear.gather [hbm4b:s15+s6], $0x80, $0x38;
	[tilespmem:$0x6320] =	vst v63  }
0xab: {  	s17 =	sadd.s32 $0xD50, s8;
	s18 =	simm.s32 $0xA80  }
0xac: {  	[tilespmem:s18], [sflag:$0x1] =	stream.linear.gather [hbm4b:s17+s6], $0x80, $0x38;
	[tilespmem:$0x6320] =	vst v63  }
0xad: {  	s19 =	sadd.s32 $0xDD0, s8;
	s20 =	simm.s32 $0xE80  }
0xae: {  	[tilespmem:s20], [sflag:$0x1] =	stream.linear.gather [hbm4b:s19+s6], $0x80, $0x38;
	[tilespmem:$0x6320] =	vst v63  }
0xaf: {  	s21 =	sadd.s32 $0xE50, s8;
	s22 =	simm.s32 $0x1280  }
0xb0: {  	[tilespmem:s22], [sflag:$0x1] =	stream.linear.gather [hbm4b:s21+s6], $0x80, $0x38;
	[tilespmem:$0x6320] =	vst v63  }
0xb1: {  	s23 =	sadd.s32 $0xED0, s8;
	s24 =	simm.s32 $0x1680  }
0xb2: {  	[tilespmem:s24], [sflag:$0x1] =	stream.linear.gather [hbm4b:s23+s6], $0x80, $0x38;
	[tilespmem:$0x6320] =	vst v63  }
0xb3: {  	s25 =	sadd.s32 $0xF50, s8;
	s26 =	simm.s32 $0x1A80  }
0xb4: {  	[tilespmem:s26], [sflag:$0x1] =	stream.linear.gather [hbm4b:s25+s6], $0x80, $0x38;
	[tilespmem:$0x6320] =	vst v63  }
0xb5: {  	s28 =	sadd.s32 $0xFD0, s8;
	s29 =	simm.s32 $0x1E80  }
0xb6: {  	[tilespmem:s29], [sflag:$0x1] =	stream.linear.gather [hbm4b:s28+s6], $0x80, $0x38;
	[tilespmem:$0x6320] =	vst v63  }
0xb7: {  	s30 =	sadd.s32 $0x1050, s8;
	s31 =	simm.s32 $0x2280  }
0xb8: {  	[tilespmem:s31], [sflag:$0x1] =	stream.linear.gather [hbm4b:s30+s6], $0x80, $0x38;
	[tilespmem:$0x6320] =	vst v63  }
0xb9: {  	s11 =	sadd.s32 $0x10D0, s8;
	s12 =	simm.s32 $0x2680  }
0xba: {  	[tilespmem:s12], [sflag:$0x1] =	stream.linear.gather [hbm4b:s11+s6], $0x80, $0x38;
	[tilespmem:$0x6320] =	vst v63  }
0xbb: {  	s13 =	sadd.s32 $0x1150, s8;
	s14 =	simm.s32 $0x2A80  }
0xbc: {  	[tilespmem:s14], [sflag:$0x1] =	stream.linear.gather [hbm4b:s13+s6], $0x80, $0x38;
	[tilespmem:$0x6320] =	vst v63  }
0xbd: {  	s15 =	sadd.s32 $0x11D0, s8;
	s16 =	simm.s32 $0x2E80  }
0xbe: {  	[tilespmem:s16], [sflag:$0x1] =	stream.linear.gather [hbm4b:s15+s6], $0x80, $0x38;
	[tilespmem:$0x6320] =	vst v63  }
0xbf: {  	s17 =	sadd.s32 $0x1250, s8;
	s18 =	simm.s32 $0x3280  }
0xc0: {  	[tilespmem:s18], [sflag:$0x1] =	stream.linear.gather [hbm4b:s17+s6], $0x80, $0x38;
	[tilespmem:$0x6320] =	vst v63  }
0xc1: {  	s19 =	sadd.s32 $0x12D0, s8;
	s20 =	simm.s32 $0x3680  }
0xc2: {  	[tilespmem:s20], [sflag:$0x1] =	stream.linear.gather [hbm4b:s19+s6], $0x80, $0x38;
	[tilespmem:$0x6320] =	vst v63  }
0xc3: {  	s21 =	sadd.s32 $0x1350, s8;
	s22 =	simm.s32 $0x3A80  }
0xc4: {  	[tilespmem:s22], [sflag:$0x1] =	stream.linear.gather [hbm4b:s21+s6], $0x80, $0x38;
	[tilespmem:$0x6320] =	vst v63  }
0xc5: {  	s23 =	sadd.s32 $0x13D0, s8;
	s24 =	simm.s32 $0x3E80  }
0xc6: {  	[tilespmem:s24], [sflag:$0x1] =	stream.linear.gather [hbm4b:s23+s6], $0x80, $0x38;
	[tilespmem:$0x6320] =	vst v63  }
0xc7: {  	s25 =	sadd.s32 $0xC60, s8;
	s26 =	simm.s32 $0x300  }
0xc8: {  	[tilespmem:s26], [sflag:$0x1] =	stream.linear.gather [hbm4b:s25+s6], $0x80, $0x38;
	[tilespmem:$0x6320] =	vst v63  }
0xc9: {  	s28 =	sadd.s32 $0xCE0, s8;
	s29 =	simm.s32 $0x700  }
0xca: {  	[tilespmem:s29], [sflag:$0x1] =	stream.linear.gather [hbm4b:s28+s6], $0x80, $0x38;
	[tilespmem:$0x6320] =	vst v63  }
0xcb: {  	s30 =	sadd.s32 $0xD60, s8;
	s31 =	simm.s32 $0xB00  }
0xcc: {  	[tilespmem:s31], [sflag:$0x1] =	stream.linear.gather [hbm4b:s30+s6], $0x80, $0x38;
	[tilespmem:$0x6320] =	vst v63  }
0xcd: {  	s11 =	sadd.s32 $0xDE0, s8;
	s12 =	simm.s32 $0xF00  }
0xce: {  	[tilespmem:s12], [sflag:$0x1] =	stream.linear.gather [hbm4b:s11+s6], $0x80, $0x38;
	[tilespmem:$0x6320] =	vst v63  }
0xcf: {  	s13 =	sadd.s32 $0xE60, s8;
	s14 =	simm.s32 $0x1300  }
0xd0: {  	[tilespmem:s14], [sflag:$0x1] =	stream.linear.gather [hbm4b:s13+s6], $0x80, $0x38;
	[tilespmem:$0x6320] =	vst v63  }
0xd1: {  	s15 =	sadd.s32 $0xEE0, s8;
	s16 =	simm.s32 $0x1700  }
0xd2: {  	[tilespmem:s16], [sflag:$0x1] =	stream.linear.gather [hbm4b:s15+s6], $0x80, $0x38;
	[tilespmem:$0x6320] =	vst v63  }
0xd3: {  	s17 =	sadd.s32 $0xF60, s8;
	s18 =	simm.s32 $0x1B00  }
0xd4: {  	[tilespmem:s18], [sflag:$0x1] =	stream.linear.gather [hbm4b:s17+s6], $0x80, $0x38;
	[tilespmem:$0x6320] =	vst v63  }
0xd5: {  	s19 =	sadd.s32 $0xFE0, s8;
	s20 =	simm.s32 $0x1F00  }
0xd6: {  	[tilespmem:s20], [sflag:$0x1] =	stream.linear.gather [hbm4b:s19+s6], $0x80, $0x38;
	[tilespmem:$0x6320] =	vst v63  }
0xd7: {  	s21 =	sadd.s32 $0x1060, s8;
	s22 =	simm.s32 $0x2300  }
0xd8: {  	[tilespmem:s22], [sflag:$0x1] =	stream.linear.gather [hbm4b:s21+s6], $0x80, $0x38;
	[tilespmem:$0x6320] =	vst v63  }
0xd9: {  	s23 =	sadd.s32 $0x10E0, s8;
	s24 =	simm.s32 $0x2700  }
0xda: {  	[tilespmem:s24], [sflag:$0x1] =	stream.linear.gather [hbm4b:s23+s6], $0x80, $0x38;
	[tilespmem:$0x6320] =	vst v63  }
0xdb: {  	s25 =	sadd.s32 $0x1160, s8;
	s26 =	simm.s32 $0x2B00  }
0xdc: {  	[tilespmem:s26], [sflag:$0x1] =	stream.linear.gather [hbm4b:s25+s6], $0x80, $0x38;
	[tilespmem:$0x6320] =	vst v63  }
0xdd: {  	s28 =	sadd.s32 $0x11E0, s8;
	s29 =	simm.s32 $0x2F00  }
0xde: {  	[tilespmem:s29], [sflag:$0x1] =	stream.linear.gather [hbm4b:s28+s6], $0x80, $0x38;
	[tilespmem:$0x6320] =	vst v63  }
0xdf: {  	s30 =	sadd.s32 $0x1260, s8;
	s31 =	simm.s32 $0x3300  }
0xe0: {  	[tilespmem:s31], [sflag:$0x1] =	stream.linear.gather [hbm4b:s30+s6], $0x80, $0x38;
	[tilespmem:$0x6320] =	vst v63  }
0xe1: {  	s11 =	sadd.s32 $0x12E0, s8;
	s12 =	simm.s32 $0x3700  }
0xe2: {  	[tilespmem:s12], [sflag:$0x1] =	stream.linear.gather [hbm4b:s11+s6], $0x80, $0x38;
	[tilespmem:$0x6320] =	vst v63  }
0xe3: {  	s13 =	sadd.s32 $0x1360, s8;
	s14 =	simm.s32 $0x3B00  }
0xe4: {  	[tilespmem:s14], [sflag:$0x1] =	stream.linear.gather [hbm4b:s13+s6], $0x80, $0x38;
	[tilespmem:$0x6320] =	vst v63  }
0xe5: {  	s15 =	sadd.s32 $0x13E0, s8;
	s16 =	simm.s32 $0x3F00  }
0xe6: {  	[tilespmem:s16], [sflag:$0x1] =	stream.linear.gather [hbm4b:s15+s6], $0x80, $0x38;
	[tilespmem:$0x6320] =	vst v63  }
0xe7: {  	s17 =	sadd.s32 $0xC70, s8;
	s18 =	simm.s32 $0x380  }
0xe8: {  	[tilespmem:s18], [sflag:$0x1] =	stream.linear.gather [hbm4b:s17+s6], $0x80, $0x38;
	[tilespmem:$0x6320] =	vst v63  }
0xe9: {  	s19 =	sadd.s32 $0xCF0, s8;
	s20 =	simm.s32 $0x780  }
0xea: {  	[tilespmem:s20], [sflag:$0x1] =	stream.linear.gather [hbm4b:s19+s6], $0x80, $0x38;
	[tilespmem:$0x6320] =	vst v63  }
0xeb: {  	s21 =	sadd.s32 $0xD70, s8;
	s22 =	simm.s32 $0xB80  }
0xec: {  	[tilespmem:s22], [sflag:$0x1] =	stream.linear.gather [hbm4b:s21+s6], $0x80, $0x38;
	[tilespmem:$0x6320] =	vst v63  }
0xed: {  	s23 =	sadd.s32 $0xDF0, s8;
	s24 =	simm.s32 $0xF80  }
0xee: {  	[tilespmem:s24], [sflag:$0x1] =	stream.linear.gather [hbm4b:s23+s6], $0x80, $0x38;
	[tilespmem:$0x6320] =	vst v63  }
0xef: {  	s25 =	sadd.s32 $0xE70, s8;
	s26 =	simm.s32 $0x1380  }
0xf0: {  	[tilespmem:s26], [sflag:$0x1] =	stream.linear.gather [hbm4b:s25+s6], $0x80, $0x38;
	[tilespmem:$0x6320] =	vst v63  }
0xf1: {  	s28 =	sadd.s32 $0xEF0, s8;
	s29 =	simm.s32 $0x1780  }
0xf2: {  	[tilespmem:s29], [sflag:$0x1] =	stream.linear.gather [hbm4b:s28+s6], $0x80, $0x38;
	[tilespmem:$0x6320] =	vst v63  }
0xf3: {  	s30 =	sadd.s32 $0xF70, s8;
	s31 =	simm.s32 $0x1B80  }
0xf4: {  	[tilespmem:s31], [sflag:$0x1] =	stream.linear.gather [hbm4b:s30+s6], $0x80, $0x38;
	[tilespmem:$0x6320] =	vst v63  }
0xf5: {  	s11 =	sadd.s32 $0xFF0, s8;
	s12 =	simm.s32 $0x1F80  }
0xf6: {  	[tilespmem:s12], [sflag:$0x1] =	stream.linear.gather [hbm4b:s11+s6], $0x80, $0x38;
	[tilespmem:$0x6320] =	vst v63  }
0xf7: {  	s13 =	sadd.s32 $0x1070, s8;
	s14 =	simm.s32 $0x2380  }
0xf8: {  	[tilespmem:s14], [sflag:$0x1] =	stream.linear.gather [hbm4b:s13+s6], $0x80, $0x38;
	[tilespmem:$0x6320] =	vst v63  }
0xf9: {  	s15 =	sadd.s32 $0x10F0, s8;
	s16 =	simm.s32 $0x2780  }
0xfa: {  	[tilespmem:s16], [sflag:$0x1] =	stream.linear.gather [hbm4b:s15+s6], $0x80, $0x38;
	[tilespmem:$0x6320] =	vst v63  }
0xfb: {  	s17 =	sadd.s32 $0x1170, s8;
	s18 =	simm.s32 $0x2B80  }
0xfc: {  	[tilespmem:s18], [sflag:$0x1] =	stream.linear.gather [hbm4b:s17+s6], $0x80, $0x38;
	[tilespmem:$0x6320] =	vst v63  }
0xfd: {  	s19 =	sadd.s32 $0x11F0, s8;
	s20 =	simm.s32 $0x2F80  }
0xfe: {  	[tilespmem:s20], [sflag:$0x1] =	stream.linear.gather [hbm4b:s19+s6], $0x80, $0x38;
	[tilespmem:$0x6320] =	vst v63  }
0xff: {  	s21 =	sadd.s32 $0x1270, s8;
	s22 =	simm.s32 $0x3380  }
0x100: {  	[tilespmem:s22], [sflag:$0x1] =	stream.linear.gather [hbm4b:s21+s6], $0x80, $0x38;
	[tilespmem:$0x6320] =	vst v63  }
0x101: {  	s23 =	sadd.s32 $0x12F0, s8;
	s24 =	simm.s32 $0x3780  }
0x102: {  	[tilespmem:s24], [sflag:$0x1] =	stream.linear.gather [hbm4b:s23+s6], $0x80, $0x38;
	[tilespmem:$0x6320] =	vst v63  }
0x103: {  	s25 =	sadd.s32 $0x1370, s8;
	s26 =	simm.s32 $0x3B80  }
0x104: {  	[tilespmem:s26], [sflag:$0x1] =	stream.linear.gather [hbm4b:s25+s6], $0x80, $0x38;
	[tilespmem:$0x6320] =	vst v63  }
0x105: {  	s8 =	sadd.s32 $0x13F0, s8;
	s28 =	simm.s32 $0x3F80  }
0x106: {  	[tilespmem:s28], [sflag:$0x1] =	stream.linear.gather [hbm4b:s8+s6], $0x80, $0x38;
	[tilespmem:$0x6320] =	vst v63  }
0x107: {  	s7 =	sadd.s32 $0x8C00, s7;
	s29 =	simm.s32 $0x4000;
	s30 =	simm.s32 $0x1  }
0x108: {  	[tilespmem:s29], [sflag:$0x1] =	stream.linear.gather [hbm4b:s7+s6], $0x80, $0x38;
	[tilespmem:$0x6320] =	vst v63  }
0x109: {  	_ =	swait.ge [sflag:s30], $0x800  }
0x10a: {  	[sflag:s30] =	ssyncset.done $0x0  }
0x10b: {  	[sflag:s30] =	ssyncadd.s32 $0xFFFFF800  }
0x10c: {  	_ =	swait.ge [sflag:s30], $0x800  }
0x10d: {  	[sflag:s30] =	ssyncset.done $0x0  }
0x10e: {  	[sflag:s30] =	ssyncadd.s32 $0xFFFFF800  }
0x10f: {  	_ =	swait.ge [sflag:s30], $0x800  }
0x110: {  	[sflag:s30] =	ssyncset.done $0x0  }
0x111: {  	[sflag:s30] =	ssyncadd.s32 $0xFFFFF800  }
0x112: {  	_ =	swait.ge [sflag:s30], $0x800  }
0x113: {  	[sflag:s30] =	ssyncset.done $0x0  }
0x114: {  	[sflag:s30] =	ssyncadd.s32 $0xFFFFF800  }
0x115: {  	_ =	swait.ge [sflag:s30], $0x800  }
0x116: {  	[sflag:s30] =	ssyncset.done $0x0  }
0x117: {  	[sflag:s30] =	ssyncadd.s32 $0xFFFFF800  }
0x118: {  	_ =	swait.ge [sflag:s30], $0x800  }
0x119: {  	[sflag:s30] =	ssyncset.done $0x0  }
0x11a: {  	[sflag:s30] =	ssyncadd.s32 $0xFFFFF800  }
0x11b: {  	_ =	swait.ge [sflag:s30], $0x800  }
0x11c: {  	[sflag:s30] =	ssyncset.done $0x0  }
0x11d: {  	[sflag:s30] =	ssyncadd.s32 $0xFFFFF800  }
0x11e: {  	_ =	swait.ge [sflag:s30], $0x800  }
0x11f: {  	[sflag:s30] =	ssyncset.done $0x0  }
0x120: {  	[sflag:s30] =	ssyncadd.s32 $0xFFFFF800  }
0x121: {  	_ =	swait.ge [sflag:s30], $0x80  }
0x122: {  	s31 =	simm.s32 $0x0;
	[sflag:s30] =	ssyncset.done $0x0  }
0x123: {  	s8 =	sand.u32 $0x3FFFFC00, s31;
	s7 =	sand.u32 $0x70, s6;
	[sflag:s30] =	ssyncadd.s32 $0xFFFFFF80  }
0x124: {  	s8 =	sor.u32 s7, s8;
	v0 =	vld [tilespmem:$0x4000]  }
0x125: {  	v2 =	vld [tilespmem:s8+$0x80]  }
0x126: {  	v5 =	vld [tilespmem:s8+$0x180]  }
0x127: {  	v10 =	vld [tilespmem:s8+$0x280]  }
0x128: {  	v15 =	vld [tilespmem:s8+$0x200]  }
0x129: {  	v28 =	vld [tilespmem:s8+$0x300]  }
0x12a: {  	v29 =	vld [tilespmem:s8+$0x380]  }
0x12b: {  	v1 =	vimm.f32 $1.000000000e+00;
	v6 =	vld [tilespmem:s8+$0x0];
	v9 =	vbroadcast v0, $0x0;
	v11 =	vbroadcast v0, $0x1  }
0x12c: {  	v19 =	vimm.s32 $0x0;
	v7 =	vld [tilespmem:s8+$0x100];
	v13 =	vbroadcast v0, $0x2;
	v14 =	vbroadcast v0, $0x3  }
0x12d: {  	v16 =	vbroadcast v0, $0x4;
	v12 =	vsub.f32 $0.0e+00, v5;
	v21 =	vsub.f32 $0.0e+00, v15  }
0x12e: {  	v17 =	vbroadcast v0, $0x5;
	v22 =	vsub.f32 $0.0e+00, v10;
	v23 =	vsub.f32 $0.0e+00, v28  }
0x12f: {  	v4 =	vbroadcast v0, $0x6;
	v25 =	vsub.f32 $0.0e+00, v29;
	v8 =	vadd.f32 v2, v11  }
0x130: {  	v3 =	vbroadcast v0, $0x7;
	v2 =	vsub.f32 $0.0e+00, v2;
	v18 =	vadd.f32 v6, v9  }
0x131: {  	v0 =	vimm.f32 $0.0e+00;
	v6 =	vsub.f32 $0.0e+00, v6;
	v20 =	vadd.f32 v7, v13  }
0x132: {  	v7 =	vsub.f32 $0.0e+00, v7;
	v5 =	vadd.f32 v5, v14;
	v22 =	vmul.f32 $1.442695020e+00, v22  }
0x133: {  	v15 =	vadd.f32 v15, v16;
	v25 =	vmul.f32 $1.442695020e+00, v25;
	v10 =	vadd.f32 v10, v17  }
0x134: {  	vm0 =	vlt.f32 v8, $-Inf;
	v2 =	vmul.f32 $1.442695020e+00, v2;
	vm2 =	vgt.f32 v8, v18  }
0x135: {  	vm4 =	vgt.f32 v8, $-Inf;
	v7 =	vmul.f32 $1.442695020e+00, v7;
	vm1 =	vmneg vm2  }
0x136: {  	vm9 =	vmor vm4, vm0;
	(erf) = vpow2.f32 v2;
	v2 =	vmul.f32 $1.442695020e+00, v6  }
0x137: {  	v6 =	vmul.f32 $1.442695020e+00, v12;
	v12 =	vsel vm1, v18, v8;
	v8 =	vnsel vm9, $0xFF800000, v8  }
0x138: {  	vm5 =	vmand vm1, vm9;
	v8 =	vsel vm1, v8, v18;
	(erf) = vpow2.f32 v2  }
0x139: {  	v2 =	vsel vm2, $0x1, v19;
	vm2 =	vgt.f32 v20, v12;
	vm6 =	vgt.f32 v20, v8  }
0x13a: {  	v24 =	vsel vm2, v20, v12;
	(erf) = vpow2.f32 v7;
	v7 =	vsel vm2, $0x2, v2  }
0x13b: {  	v8 =	vsel vm6, v20, v8;
	vm3 =	vgt.f32 v5, v24;
	(erf) = vpow2.f32 v6  }
0x13c: {  	v6 =	vmul.f32 $1.442695020e+00, v21;
	v8 =	vsel vm2, v12, v8;
	v21 =	vsel vm3, v5, v24  }
0x13d: {  	(erf) = vpow2.f32 v22;
	v22 =	vmul.f32 $1.442695020e+00, v23;
	vm7 =	vgt.f32 v5, v8  }
0x13e: {  	v20 =	vsel vm3, $0x3, v7;
	vm4 =	vgt.f32 v15, v21;
	v5 =	vsel vm7, v5, v8  }
0x13f: {  	v26 =	vsel vm4, v15, v21;
	(erf) = vpow2.f32 v22;
	v5 =	vsel vm3, v24, v5  }
0x140: {  	v33 =	vsel vm4, $0x4, v20;
	v24 =	vimm.f32 $0.0e+00;
	v22 =	vimm.f32 $0.0e+00  }
0x141: {  	(erf) = vpow2.f32 v6;
	vm0 =	vgt.f32 v10, v26;
	vm8 =	vgt.f32 v15, v5;
	v23 =	vpop (erf)  }
0x142: {  	v31 =	vsel vm0, v10, v26;
	v5 =	vsel vm8, v15, v5;
	v23 =	vadd.f32 $1.000000000e+00, v23;
	v18 =	vpop (erf)  }
0x143: {  	v32 =	vsel vm0, $0x5, v33;
	v15 =	vimm.f32 $0.0e+00;
	v6 =	vadd.f32 $1.000000000e+00, v18  }
0x144: {  	v5 =	vsel vm4, v21, v5;
	v21 =	vimm.f32 $0.0e+00;
	(erf) = vrcp.f32 v23;
	v18 =	vpop (erf)  }
0x145: {  	v23 =	vimm.f32 $0.0e+00;
	v12 =	vadd.f32 $1.000000000e+00, v18;
	v18 =	vpop (erf);
	(erf) = vrcp.f32 v6  }
0x146: {  	v6 =	vsel vm5, $0x1, v19;
	v18 =	vadd.f32 $1.000000000e+00, v18;
	v8 =	vpop (erf);
	vm5 =	vgt.f32 v10, v5  }
0x147: {  	v6 =	vsel vm6, $0x2, v6;
	(erf) = vrcp.f32 v12;
	v8 =	vadd.f32 $1.000000000e+00, v8  }
0x148: {  	v5 =	vsel vm5, v10, v5;
	v10 =	vimm.f32 $0.0e+00;
	v12 =	vimm.f32 $0.0e+00  }
0x149: {  	(erf) = vpow2.f32 v25;
	v2 =	vsel vm2, v2, v6;
	v36 =	vsel vm0, v26, v5  }
0x14a: {  	v26 =	vimm.f32 $0.0e+00;
	v25 =	vimm.f32 $0.0e+00;
	v2 =	vsel vm7, $0x3, v2;
	v6 =	vpop (erf)  }
0x14b: {  	(erf) = vrcp.f32 v18;
	v2 =	vsel vm3, v7, v2;
	v37 =	vadd.f32 $1.000000000e+00, v6;
	v6 =	vpop (erf)  }
0x14c: {  	v5 =	vimm.f32 $0.0e+00;
	v2 =	vsel vm8, $0x4, v2;
	v6 =	vadd.f32 $1.000000000e+00, v6  }
0x14d: {  	v18 =	vimm.f32 $0.0e+00;
	v7 =	vimm.f32 $0.0e+00;
	v34 =	vsel vm4, v20, v2  }
0x14e: {  	v20 =	vimm.f32 $0.0e+00;
	v2 =	vimm.f32 $0.0e+00;
	v27 =	vpop (erf);
	(erf) = vrcp.f32 v6  }
0x14f: {  	v38 =	vnsel vm9, $0x0, v27;
	v6 =	vimm.f32 $0.0e+00;
	v30 =	vpop (erf);
	(erf) = vrcp.f32 v8  }
0x150: {  	s10 =	simm.s32 $0x1;
	s8 =	simm.s32 $0x0;
	v8 =	vimm.f32 $0.0e+00;
	v35 =	vsel vm1, v30, v27;
	v39 =	vadd.f32 v27, v30  }
.LBB2_1:
0x151: {  	s11 =	sshll.u32 s10, $0x7  }
0x152: {  	v38 =	vsel vm1, v38, v30;
	v40 =	vsel vm5, $0x5, v34;
	s6 =	sadd.s32 $0x10, s6;
	v34 =	vpop (erf);
	s13 =	smov.u32 s10;
	s9 =	sadd.s32 $0x1, s10  }
0x153: {  	p0 =	sne.s32 s10, $0x7F;
	s12 =	sand.u32 $0x70, s6;
	s11 =	sand.u32 $0x3FFFFC00, s11;
	v38 =	vsel vm6, v34, v38;
	v41 =	vsel vm2, v34, v35;
	v39 =	vadd.f32 v34, v39;
	v42 =	vpop (erf)  }
0x154: {  	s10 =	sor.u32 s12, s11;
	v42 =	vadd.f32 $1.000000000e+00, v42;
	v38 =	vsel vm2, v35, v38;
	v35 =	vpop (erf);
	(erf) = vrcp.f32 v37  }
0x155: {  	v37 =	vsel vm7, v35, v38;
	v38 =	vsel vm3, v35, v41;
	v39 =	vadd.f32 v35, v39  }
0x156: {  	v33 =	vsel vm0, v33, v40;
	v37 =	vsel vm3, v41, v37;
	(erf) = vrcp.f32 v42;
	_ =	sdelay $0x2  }
0x157: {  	v28 =	vadd.f32 v28, v4;
	v29 =	vadd.f32 v29, v3;
	v40 =	vpop (erf)  }
0x158: {  	v37 =	vsel vm8, v40, v37;
	v41 =	vsel vm4, v40, v38;
	v39 =	vadd.f32 v40, v39;
	v42 =	vpop (erf)  }
0x159: {  	vm1 =	vgt.f32 v28, v31;
	v37 =	vsel vm4, v38, v37;
	v38 =	vsel vm0, v42, v41  }
0x15a: {  	vm2 =	vgt.f32 v28, v36;
	v37 =	vsel vm5, v42, v37;
	v39 =	vadd.f32 v42, v39  }
0x15b: {  	v36 =	vsel vm2, v28, v36;
	v33 =	vsel vm2, $0x6, v33;
	v37 =	vsel vm0, v41, v37;
	v41 =	vpop (erf)  }
0x15c: {  	v43 =	vsel vm1, v28, v31;
	v36 =	vsel vm1, v31, v36;
	v37 =	vsel vm2, v41, v37  }
0x15d: {  	vm0 =	vgt.f32 v29, v43;
	v31 =	vsel vm1, v38, v37;
	v37 =	vsel vm1, v41, v38;
	v28 =	vpop (erf)  }
0x15e: {  	s11 =	sshll.u32 s8, $0x5;
	s8 =	smov.u32 s13;
	v33 =	vsel vm1, v32, v33;
	vm0 =	vmneg vm0;
	vm2 =	vgt.f32 v29, v36  }
0x15f: {  	s11 =	sand.u32 $0xFFFFFF00, s11;
	v29 =	vsel vm1, $0x6, v32;
	v31 =	vsel vm2, v28, v31;
	v32 =	vsel vm0, v37, v28  }
0x160: {  	s11 =	sor.u32 s7, s11;
	s7 =	smov.u32 s12;
	v33 =	vsel vm2, $0x7, v33;
	v36 =	vnsel vm0, $0x7, v29;
	v31 =	vsel vm0, v31, v37  }
0x161: {  	v29 =	vsel vm0, v33, v29;
	vm3 =	veq.s32 v36, $0x3;
	v33 =	vadd.f32 v31, v32;
	[tilespmem:s11+$0x4080] =	vst v36  }
0x162: {  	vm2 =	vmand vm1, vm0;
	v37 =	vadd.f32 v41, v39;
	vm4 =	veq.s32 v29, $0x0;
	[tilespmem:s11+$0x4100] =	vst v29  }
0x163: {  	vm1 =	veq.s32 v29, $0x1;
	vm5 =	veq.s32 v29, $0x5;
	v33 =	vadd.f32 $1.000000010e-10, v33  }
0x164: {  	v38 =	vsel vm4, $0x3F800000, v0;
	vm4 =	veq.s32 v29, $0x2;
	v37 =	vadd.f32 v28, v37  }
0x165: {  	v39 =	vsel vm1, $0x3F800000, v0;
	v43 =	vsel vm5, $0x3F800000, v0;
	(erf) = vrcp.f32 v33  }
0x166: {  	vm1 =	veq.s32 v29, $0x3;
	v33 =	vadd.f32 $1.000000010e-10, v37  }
0x167: {  	vm5 =	veq.s32 v29, $0x4;
	v37 =	vsel vm3, $0x3F800000, v0;
	vm3 =	veq.s32 v36, $0x4  }
0x168: {  	v44 =	vsel vm3, $0x3F800000, v0;
	vm3 =	veq.s32 v36, $0x5;
	(erf) = vrcp.f32 v33  }
0x169: {  	vm6 =	veq.s32 v36, $0x2;
	v45 =	vsel vm3, $0x3F800000, v0;
	v33 =	vsel vm4, $0x3F800000, v0  }
0x16a: {  	v46 =	vsel vm6, $0x3F800000, v0;
	v47 =	vsel vm5, $0x3F800000, v0;
	v43 =	vadd.f32 v43, v45  }
0x16b: {  	vm3 =	veq.s32 v36, $0x0;
	vm4 =	veq.s32 v36, $0x1;
	v33 =	vadd.f32 v33, v46  }
0x16c: {  	v44 =	vadd.f32 v47, v44;
	v36 =	vsel vm3, $0x3F800000, v0;
	v15 =	vadd.f32 v43, v15  }
0x16d: {  	v43 =	vsel vm4, $0x3F800000, v0;
	v20 =	vadd.f32 v33, v20;
	v33 =	vsel vm2, $0x3F800000, v0  }
0x16e: {  	v36 =	vadd.f32 v38, v36;
	v38 =	vadd.f32 v39, v43;
	vm2 =	veq.s32 v29, $0x6;
	v39 =	vpop (erf)  }
0x16f: {  	v10 =	vadd.f32 v44, v10;
	v32 =	vmul.f32 v39, v32;
	v31 =	vmul.f32 v39, v31  }
0x170: {  	v26 =	vadd.f32 v36, v26;
	v36 =	vsel vm2, $0x3F800000, v0;
	v23 =	vadd.f32 v38, v23  }
0x171: {  	v33 =	vadd.f32 v36, v33;
	v36 =	vsel vm0, $0x0, v1;
	vm0 =	veq.s32 v29, $0x7;
	[tilespmem:s11+$0x5080] =	vst v32;
	v29 =	vpop (erf)  }
0x172: {  	v32 =	vsel vm0, $0x3F800000, v0;
	v30 =	vmul.f32 v29, v30;
	v27 =	vmul.f32 v29, v27;
	[tilespmem:s11+$0x5100] =	vst v31  }
0x173: {  	v31 =	vmul.f32 v29, v34;
	v34 =	vmul.f32 v29, v35;
	v32 =	vadd.f32 v32, v36  }
0x174: {  	v35 =	vmul.f32 v29, v42;
	v25 =	vadd.f32 v30, v25;
	v30 =	vmul.f32 v29, v40  }
0x175: {  	v28 =	vmul.f32 v29, v28;
	v18 =	vadd.f32 v34, v18;
	v34 =	vmul.f32 v29, v41;
	v36 =	vld [tilespmem:s10+$0x80]  }
0x176: {  	v21 =	vadd.f32 v31, v21;
	v29 =	vsel vm1, $0x3F800000, v0;
	v38 =	vld [tilespmem:s10+$0x180];
	v12 =	vadd.f32 v30, v12  }
0x177: {  	v24 =	vadd.f32 v27, v24;
	v2 =	vadd.f32 v28, v2;
	v30 =	vld [tilespmem:s10+$0x0]  }
0x178: {  	v7 =	vadd.f32 v35, v7;
	v5 =	vadd.f32 v34, v5;
	v27 =	vld [tilespmem:s10+$0x100]  }
0x179: {  	v8 =	vadd.f32 v33, v8;
	v6 =	vadd.f32 v32, v6  }
0x17a: {  	v28 =	vadd.f32 v29, v37;
	v31 =	vadd.f32 v36, v11  }
0x17b: {  	v29 =	vsub.f32 $0.0e+00, v36;
	v32 =	vld [tilespmem:s10+$0x280];
	v33 =	vsub.f32 $0.0e+00, v38  }
0x17c: {  	v22 =	vadd.f32 v28, v22;
	v34 =	vld [tilespmem:s10+$0x200];
	v35 =	vadd.f32 v30, v9;
	vm0 =	vlt.f32 v31, $-Inf  }
0x17d: {  	v30 =	vsub.f32 $0.0e+00, v30;
	v36 =	vmul.f32 $1.442695020e+00, v29;
	vm4 =	vgt.f32 v31, $-Inf;
	v28 =	vld [tilespmem:s10+$0x300]  }
0x17e: {  	v37 =	vadd.f32 v27, v13;
	vm2 =	vgt.f32 v31, v35  }
0x17f: {  	v33 =	vmul.f32 $1.442695020e+00, v33;
	v29 =	vld [tilespmem:s10+$0x380];
	vm1 =	vmneg vm2;
	(erf) = vpow2.f32 v36  }
0x180: {  	v27 =	vsub.f32 $0.0e+00, v27;
	v30 =	vmul.f32 $1.442695020e+00, v30;
	v36 =	vsel vm1, v35, v31  }
0x181: {  	v41 =	vsel vm2, $0x1, v19;
	v40 =	vsub.f32 $0.0e+00, v32;
	v39 =	vsub.f32 $0.0e+00, v34  }
0x182: {  	v27 =	vmul.f32 $1.442695020e+00, v27;
	vm2 =	vgt.f32 v37, v36;
	(erf) = vpow2.f32 v30  }
0x183: {  	v38 =	vadd.f32 v38, v14;
	v30 =	vsub.f32 $0.0e+00, v28;
	v42 =	vsel vm2, v37, v36  }
0x184: {  	v40 =	vmul.f32 $1.442695020e+00, v40;
	v43 =	vsub.f32 $0.0e+00, v29;
	(erf) = vpow2.f32 v27  }
0x185: {  	vm3 =	vgt.f32 v38, v42;
	v27 =	vsel vm2, $0x2, v41;
	(erf) = vpow2.f32 v33  }
0x186: {  	v34 =	vadd.f32 v34, v16;
	v33 =	vmul.f32 $1.442695020e+00, v39;
	v39 =	vsel vm3, v38, v42  }
0x187: {  	vm9 =	vmor vm4, vm0;
	v43 =	vmul.f32 $1.442695020e+00, v43;
	(erf) = vpow2.f32 v40  }
0x188: {  	v30 =	vmul.f32 $1.442695020e+00, v30;
	vm4 =	vgt.f32 v34, v39;
	v40 =	vadd.f32 v32, v17;
	v32 =	vpop (erf)  }
0x189: {  	vm5 =	vmand vm1, vm9;
	v44 =	vsel vm4, v34, v39;
	v32 =	vadd.f32 $1.000000000e+00, v32  }
0x18a: {  	v31 =	vnsel vm9, $0xFF800000, v31;
	vm0 =	vgt.f32 v40, v44;
	(erf) = vpow2.f32 v30  }
0x18b: {  	v30 =	vsel vm1, v31, v35;
	v31 =	vsel vm0, v40, v44;
	v35 =	vpop (erf);
	(erf) = vpow2.f32 v33  }
0x18c: {  	vm6 =	vgt.f32 v37, v30;
	v45 =	vadd.f32 $1.000000000e+00, v35;
	(erf) = vrcp.f32 v32  }
0x18d: {  	v32 =	vsel vm5, $0x1, v19;
	v30 =	vsel vm6, v37, v30;
	v35 =	vpop (erf)  }
0x18e: {  	v30 =	vsel vm2, v36, v30;
	v35 =	vadd.f32 $1.000000000e+00, v35;
	(erf) = vrcp.f32 v45;
	v33 =	vpop (erf)  }
0x18f: {  	vm7 =	vgt.f32 v38, v30;
	v45 =	vsel vm3, $0x3, v27;
	v36 =	vadd.f32 $1.000000000e+00, v33  }
0x190: {  	v32 =	vsel vm6, $0x2, v32;
	v30 =	vsel vm7, v38, v30;
	(erf) = vrcp.f32 v35;
	v33 =	vpop (erf)  }
0x191: {  	v30 =	vsel vm3, v42, v30;
	v46 =	vadd.f32 $1.000000000e+00, v33;
	(erf) = vpow2.f32 v43  }
0x192: {  	vm8 =	vgt.f32 v34, v30;
	v33 =	vsel vm4, $0x4, v45;
	(erf) = vrcp.f32 v36  }
0x193: {  	v36 =	vsel vm2, v41, v32;
	v30 =	vsel vm8, v34, v30;
	v32 =	vsel vm0, $0x5, v33;
	v34 =	vpop (erf)  }
.Ltmp0:
0x194: {  	v30 =	vsel vm4, v39, v30;
	v37 =	vadd.f32 $1.000000000e+00, v34;
	v34 =	vsel vm7, $0x3, v36;
	v35 =	vpop (erf);
	(pc) =	sbr.rel @p0 .LBB2_1-.Ltmp0, $4  }
0x195: {  	vm5 =	vgt.f32 v40, v30;
	v35 =	vadd.f32 $1.000000000e+00, v35;
	v34 =	vsel vm3, v27, v34;
	v27 =	vpop (erf)  }
0x196: {  	v39 =	vsel vm5, v40, v30;
	v38 =	vnsel vm9, $0x0, v27;
	v34 =	vsel vm8, $0x4, v34  }
0x197: {  	v36 =	vsel vm0, v44, v39;
	v34 =	vsel vm4, v45, v34;
	v30 =	vpop (erf);
	(erf) = vrcp.f32 v35  }
0x198: {  	s10 =	smov.u32 s9;
	v35 =	vsel vm1, v30, v27;
	v39 =	vadd.f32 v27, v30;
	(erf) = vrcp.f32 v46  }
0x199: {  	v9 =	vpop (erf)  }
0x19a: {  	v13 =	vsel vm1, v38, v30;
	v11 =	vpop (erf)  }
0x19b: {  	(erf) = vrcp.f32 v37;
	v13 =	vsel vm6, v9, v13;
	v11 =	vadd.f32 $1.000000000e+00, v11  }
0x19c: {  	v13 =	vsel vm2, v35, v13;
	v16 =	vpop (erf)  }
0x19d: {  	v13 =	vsel vm7, v16, v13;
	(erf) = vrcp.f32 v11  }
0x19e: {  	v4 =	vadd.f32 v28, v4  }
0x19f: {  	v3 =	vadd.f32 v29, v3;
	v63 =	vsel vm2, v9, v35  }
0x1a0: {  	v14 =	vadd.f32 v9, v39;
	vm2 =	vgt.f32 v4, v31;
	v11 =	vsel vm3, v63, v13;
	v13 =	vpop (erf)  }
0x1a1: {  	vm10 =	vgt.f32 v4, v36;
	v17 =	vsel vm3, v16, v63;
	v11 =	vsel vm8, v13, v11  }
0x1a2: {  	v14 =	vadd.f32 v16, v14;
	v37 =	vsel vm10, v4, v36;
	v28 =	vpop (erf);
	v11 =	vsel vm4, v17, v11  }
0x1a3: {  	v4 =	vsel vm2, v4, v31;
	v19 =	vsel vm4, v13, v17;
	v11 =	vsel vm5, v28, v11  }
0x1a4: {  	vm11 =	vgt.f32 v3, v4;
	v14 =	vadd.f32 v13, v14;
	v29 =	vpop (erf);
	v11 =	vsel vm0, v19, v11  }
0x1a5: {  	v35 =	vsel vm0, v28, v19;
	v19 =	vsel vm2, v31, v37;
	v11 =	vsel vm10, v29, v11  }
0x1a6: {  	v14 =	vadd.f32 v28, v14;
	vm12 =	vgt.f32 v3, v19;
	v11 =	vsel vm2, v35, v11;
	v31 =	vpop (erf)  }
0x1a7: {  	vm1 =	vmneg vm11;
	v38 =	vsel vm2, v29, v35;
	v39 =	vsel vm12, v31, v11  }
0x1a8: {  	v41 =	vadd.f32 v29, v14;
	v40 =	vsel vm1, v38, v31;
	v17 =	vsel vm1, v39, v38  }
0x1a9: {  	v4 =	vadd.f32 v17, v40  }
0x1aa: {  	v3 =	vadd.f32 v31, v41  }
0x1ab: {  	v4 =	vadd.f32 $1.000000010e-10, v4  }
0x1ac: {  	v3 =	vadd.f32 $1.000000010e-10, v3  }
0x1ad: {  	(erf) = vrcp.f32 v4  }
0x1ae: {  	v42 =	vsel vm5, $0x5, v34;
	(erf) = vrcp.f32 v3  }
0x1af: {  	v14 =	vsel vm0, v33, v42  }
0x1b0: {  	v45 =	vsel vm2, $0x6, v32;
	v1 =	vsel vm1, $0x0, v1;
	v43 =	vsel vm10, $0x6, v14  }
0x1b1: {  	vm5 =	vmand vm2, vm1;
	v44 =	vsel vm2, v32, v43;
	v4 =	vnsel vm1, $0x7, v45  }
0x1b2: {  	v3 =	vsel vm12, $0x7, v44;
	vm13 =	veq.s32 v4, $0x3;
	vm10 =	veq.s32 v4, $0x4  }
0x1b3: {  	vm11 =	veq.s32 v4, $0x0;
	v3 =	vsel vm1, v3, v45;
	v49 =	vsel vm13, $0x3F800000, v0  }
0x1b4: {  	vm13 =	veq.s32 v4, $0x1;
	v50 =	vsel vm11, $0x3F800000, v0;
	v52 =	vsel vm10, $0x3F800000, v0  }
0x1b5: {  	vm14 =	veq.s32 v3, $0x0;
	vm15 =	veq.s32 v3, $0x1;
	vm8 =	veq.s32 v3, $0x5  }
0x1b6: {  	vm3 =	veq.s32 v3, $0x2;
	vm9 =	veq.s32 v3, $0x3;
	v46 =	vsel vm14, $0x3F800000, v0;
	v51 =	vpop (erf)  }
0x1b7: {  	vm12 =	veq.s32 v3, $0x4;
	v53 =	vsel vm13, $0x3F800000, v0;
	v14 =	vadd.f32 v46, v50;
	v54 =	vpop (erf)  }
0x1b8: {  	v47 =	vsel vm15, $0x3F800000, v0;
	vm15 =	veq.s32 v4, $0x2;
	v55 =	vmul.f32 v54, v30  }
0x1b9: {  	v56 =	vsel vm3, $0x3F800000, v0;
	v19 =	vadd.f32 v47, v53;
	v14 =	vadd.f32 v14, v26  }
0x1ba: {  	v57 =	vsel vm15, $0x3F800000, v0;
	v27 =	vmul.f32 v54, v27;
	v25 =	vadd.f32 v55, v25  }
0x1bb: {  	vm6 =	veq.s32 v3, $0x6;
	v26 =	vadd.f32 v56, v57;
	v19 =	vadd.f32 v19, v23;
	(xrf2) =	vadd.scan.msk.f32 $0xffff, v14  }
0x1bc: {  	v59 =	vsel vm9, $0x3F800000, v0;
	v9 =	vmul.f32 v54, v9;
	v60 =	vadd.f32 v27, v24;
	(xrf2) =	vadd.scan.msk.f32 $0xffff, v25  }
0x1bd: {  	v48 =	vsel vm8, $0x3F800000, v0;
	v20 =	vadd.f32 v26, v20;
	v14 =	vadd.f32 v59, v49;
	(xrf2) =	vadd.scan.msk.f32 $0xffff, v19  }
0x1be: {  	v61 =	vsel vm12, $0x3F800000, v0;
	v16 =	vmul.f32 v54, v16;
	v9 =	vadd.f32 v9, v21;
	(xrf2) =	vadd.scan.msk.f32 $0xffff, v60  }
0x1bf: {  	vm14 =	veq.s32 v4, $0x5;
	v63 =	vadd.f32 v61, v52;
	v14 =	vadd.f32 v14, v22;
	(xrf2) =	vadd.scan.msk.f32 $0xffff, v20  }
0x1c0: {  	v58 =	vsel vm14, $0x3F800000, v0;
	v13 =	vmul.f32 v54, v13;
	v16 =	vadd.f32 v16, v18;
	(xrf2) =	vadd.scan.msk.f32 $0xffff, v9  }
0x1c1: {  	v62 =	vadd.f32 v48, v58;
	v10 =	vadd.f32 v63, v10;
	v26 =	vmul.f32 v54, v28;
	(xrf2) =	vadd.scan.msk.f32 $0xffff, v14  }
0x1c2: {  	v24 =	vsel vm5, $0x3F800000, v0;
	v12 =	vadd.f32 v13, v12;
	v25 =	vsel vm6, $0x3F800000, v0;
	(xrf2) =	vadd.scan.msk.f32 $0xffff, v16  }
0x1c3: {  	vm7 =	veq.s32 v3, $0x7;
	v15 =	vadd.f32 v62, v15;
	v9 =	vadd.f32 v25, v24;
	(xrf2) =	vadd.scan.msk.f32 $0xffff, v10  }
0x1c4: {  	v28 =	vmul.f32 v54, v29;
	v27 =	vsel vm7, $0x3F800000, v0;
	v7 =	vadd.f32 v26, v7;
	(xrf2) =	vadd.scan.msk.f32 $0xffff, v12  }
0x1c5: {  	v0 =	vadd.f32 v27, v1;
	v30, _, _ =	vpop (xrf2);
	v29 =	vadd.f32 v9, v8;
	(xrf2) =	vadd.scan.msk.f32 $0xffff, v15  }
0x1c6: {  	v31 =	vmul.f32 v54, v31;
	v5 =	vadd.f32 v28, v5;
	v32, _, _ =	vpop (xrf2);
	(xrf2) =	vadd.scan.msk.f32 $0xffff, v7  }
0x1c7: {  	v0 =	vadd.f32 v0, v6;
	v33, _, _ =	vpop (xrf2);
	(xrf2) =	vadd.scan.msk.f32 $0xffff, v29  }
0x1c8: {  	v2 =	vadd.f32 v31, v2;
	v36, _, _ =	vpop (xrf2);
	(xrf2) =	vadd.scan.msk.f32 $0xffff, v5  }
0x1c9: {  	vm10 =	vcmask $0x720;
	vm11 =	vcmask $0xB20;
	vm13 =	vcmask $0x1320;
	v39, _, _ =	vpop (xrf2);
	(xrf2) =	vadd.scan.msk.f32 $0xffff, v0  }
0x1ca: {  	vm8 =	vmmov $0x1;
	vm9 =	vcmask $0x320;
	vm12 =	vcmask $0xF20;
	v42, _, _ =	vpop (xrf2);
	(xrf2) =	vadd.scan.msk.f32 $0xffff, v2  }
0x1cb: {  	vm14 =	vcmask $0x1720;
	v34 =	vmul.f32 v51, v40;
	v37 =	vbroadcast v30, $0xF;
	v43, _, _ =	vpop (xrf2)  }
0x1cc: {  	vm15 =	vcmask $0x1B20;
	v38 =	vbroadcast v32, $0xF;
	v40 =	vbroadcast v33, $0xF;
	v44, _, _ =	vpop (xrf2)  }
0x1cd: {  	v51 =	vmul.f32 v51, v17;
	v5 =	vnsel vm8, $0x0, v37;
	v41 =	vbroadcast v36, $0xF;
	v47, _, _ =	vpop (xrf2)  }
0x1ce: {  	v8 =	vnsel vm8, $0x0, v38;
	v0 =	vsel vm9, v5, v40;
	v46 =	vbroadcast v39, $0xF;
	v48, _, _ =	vpop (xrf2)  }
0x1cf: {  	v45 =	vsel vm9, v8, v41;
	v7 =	vbroadcast v42, $0xF;
	v2 =	vbroadcast v43, $0xF;
	v50, _, _ =	vpop (xrf2)  }
0x1d0: {  	s6 =	sshll.u32 s8, $0x5;
	v0 =	vsel vm10, v0, v46;
	v49 =	vbroadcast v44, $0xF;
	v53 =	vbroadcast v47, $0xF;
	v52, _, _ =	vpop (xrf2)  }
0x1d1: {  	s6 =	sand.u32 $0xFFFFFF00, s6;
	v5 =	vsel vm10, v45, v7;
	v0 =	vsel vm11, v0, v2;
	v54 =	vbroadcast v48, $0xF;
	v55, _, _ =	vpop (xrf2)  }
0x1d2: {  	s6 =	sor.u32 s7, s6;
	v5 =	vsel vm11, v5, v49;
	v56 =	vbroadcast v50, $0xF;
	v0 =	vsel vm12, v0, v53;
	v57, _, _ =	vpop (xrf2)  }
0x1d3: {  	[tilespmem:s6+$0x4080] =	vst v4;
	v2 =	vbroadcast v52, $0xF;
	v5 =	vsel vm12, v5, v54;
	v59 =	vbroadcast v55, $0xF;
	v58, _, _ =	vpop (xrf2)  }
0x1d4: {  	[tilespmem:s6+$0x4100] =	vst v3;
	v0 =	vsel vm13, v0, v56;
	v60 =	vbroadcast v57, $0xF;
	v61 =	vbroadcast v58, $0xF;
	v62, _, _ =	vpop (xrf2)  }
0x1d5: {  	[tilespmem:s6+$0x5080] =	vst v34;
	v2 =	vsel vm13, v5, v2;
	v0 =	vsel vm14, v0, v59;
	v63 =	vbroadcast v62, $0xF  }
0x1d6: {  	[tilespmem:s6+$0x5100] =	vst v51;
	v2 =	vsel vm14, v2, v60;
	v0 =	vsel vm15, v0, v61  }
0x1d7: {  	s7 =	sshll.u32 s3, $0x9;
	v1 =	vsel vm15, v2, v63;
	[tilespmem:$0x6080] =	vst v0  }
0x1d8: {  	s9 =	simm.s32 $0x4080;
	s8 =	sadd.s32 s5, s7;
	s6 =	simm.s32 $0x0;
	[tilespmem:$0x6090] =	vst v1  }
0x1d9: {  	[hbm4b:s8+s6] =	stream.linear.scatter [tilespmem:s9], [sflag:$0x1], $0x80, $0x38;
	[tilespmem:$0x6320] =	vst v63  }
0x1da: {  	s10 =	simm.s32 $0x4180;
	s16 =	sadd.s32 $0x20, s8  }
0x1db: {  	[hbm4b:s16+s6] =	stream.linear.scatter [tilespmem:s10], [sflag:$0x1], $0x80, $0x38;
	[tilespmem:$0x6320] =	vst v63  }
0x1dc: {  	s18 =	simm.s32 $0x4280;
	s17 =	sadd.s32 $0x40, s8  }
0x1dd: {  	[hbm4b:s17+s6] =	stream.linear.scatter [tilespmem:s18], [sflag:$0x1], $0x80, $0x38;
	[tilespmem:$0x6320] =	vst v63  }
0x1de: {  	s20 =	simm.s32 $0x4380;
	s19 =	sadd.s32 $0x60, s8  }
0x1df: {  	[hbm4b:s19+s6] =	stream.linear.scatter [tilespmem:s20], [sflag:$0x1], $0x80, $0x38;
	[tilespmem:$0x6320] =	vst v63  }
0x1e0: {  	s22 =	simm.s32 $0x4480;
	s21 =	sadd.s32 $0x80, s8  }
0x1e1: {  	[hbm4b:s21+s6] =	stream.linear.scatter [tilespmem:s22], [sflag:$0x1], $0x80, $0x38;
	[tilespmem:$0x6320] =	vst v63  }
0x1e2: {  	s24 =	simm.s32 $0x4580;
	s23 =	sadd.s32 $0xA0, s8  }
0x1e3: {  	[hbm4b:s23+s6] =	stream.linear.scatter [tilespmem:s24], [sflag:$0x1], $0x80, $0x38;
	[tilespmem:$0x6320] =	vst v63  }
0x1e4: {  	s26 =	simm.s32 $0x4680;
	s25 =	sadd.s32 $0xC0, s8  }
0x1e5: {  	[hbm4b:s25+s6] =	stream.linear.scatter [tilespmem:s26], [sflag:$0x1], $0x80, $0x38;
	[tilespmem:$0x6320] =	vst v63  }
0x1e6: {  	s29 =	simm.s32 $0x4780;
	s28 =	sadd.s32 $0xE0, s8  }
0x1e7: {  	[hbm4b:s28+s6] =	stream.linear.scatter [tilespmem:s29], [sflag:$0x1], $0x80, $0x38;
	[tilespmem:$0x6320] =	vst v63  }
0x1e8: {  	s31 =	simm.s32 $0x4880;
	s30 =	sadd.s32 $0x100, s8  }
0x1e9: {  	[hbm4b:s30+s6] =	stream.linear.scatter [tilespmem:s31], [sflag:$0x1], $0x80, $0x38;
	[tilespmem:$0x6320] =	vst v63  }
0x1ea: {  	s12 =	simm.s32 $0x4980;
	s11 =	sadd.s32 $0x120, s8  }
0x1eb: {  	[hbm4b:s11+s6] =	stream.linear.scatter [tilespmem:s12], [sflag:$0x1], $0x80, $0x38;
	[tilespmem:$0x6320] =	vst v63  }
0x1ec: {  	s14 =	simm.s32 $0x4A80;
	s13 =	sadd.s32 $0x140, s8  }
0x1ed: {  	[hbm4b:s13+s6] =	stream.linear.scatter [tilespmem:s14], [sflag:$0x1], $0x80, $0x38;
	[tilespmem:$0x6320] =	vst v63  }
0x1ee: {  	s15 =	sadd.s32 $0x160, s8;
	s16 =	simm.s32 $0x4B80  }
0x1ef: {  	[hbm4b:s15+s6] =	stream.linear.scatter [tilespmem:s16], [sflag:$0x1], $0x80, $0x38;
	[tilespmem:$0x6320] =	vst v63  }
0x1f0: {  	s17 =	sadd.s32 $0x180, s8;
	s18 =	simm.s32 $0x4C80  }
0x1f1: {  	[hbm4b:s17+s6] =	stream.linear.scatter [tilespmem:s18], [sflag:$0x1], $0x80, $0x38;
	[tilespmem:$0x6320] =	vst v63  }
0x1f2: {  	s19 =	sadd.s32 $0x1A0, s8;
	s20 =	simm.s32 $0x4D80  }
0x1f3: {  	[hbm4b:s19+s6] =	stream.linear.scatter [tilespmem:s20], [sflag:$0x1], $0x80, $0x38;
	[tilespmem:$0x6320] =	vst v63  }
0x1f4: {  	s21 =	sadd.s32 $0x1C0, s8;
	s22 =	simm.s32 $0x4E80  }
0x1f5: {  	[hbm4b:s21+s6] =	stream.linear.scatter [tilespmem:s22], [sflag:$0x1], $0x80, $0x38;
	[tilespmem:$0x6320] =	vst v63  }
0x1f6: {  	s8 =	sadd.s32 $0x1E0, s8;
	s23 =	simm.s32 $0x4F80  }
0x1f7: {  	[hbm4b:s8+s6] =	stream.linear.scatter [tilespmem:s23], [sflag:$0x1], $0x80, $0x38;
	[tilespmem:$0x6320] =	vst v63  }
0x1f8: {  	s24 =	simm.s32 $0x5080;
	s8 =	sadd.s32 s4, s7  }
0x1f9: {  	[hbm4b:s8+s6] =	stream.linear.scatter [tilespmem:s24], [sflag:$0x1], $0x80, $0x38;
	[tilespmem:$0x6320] =	vst v63  }
0x1fa: {  	s26 =	simm.s32 $0x5180;
	s25 =	sadd.s32 $0x20, s8  }
0x1fb: {  	[hbm4b:s25+s6] =	stream.linear.scatter [tilespmem:s26], [sflag:$0x1], $0x80, $0x38;
	[tilespmem:$0x6320] =	vst v63  }
0x1fc: {  	s29 =	simm.s32 $0x5280;
	s28 =	sadd.s32 $0x40, s8  }
0x1fd: {  	[hbm4b:s28+s6] =	stream.linear.scatter [tilespmem:s29], [sflag:$0x1], $0x80, $0x38;
	[tilespmem:$0x6320] =	vst v63  }
0x1fe: {  	s31 =	simm.s32 $0x5380;
	s30 =	sadd.s32 $0x60, s8  }
0x1ff: {  	[hbm4b:s30+s6] =	stream.linear.scatter [tilespmem:s31], [sflag:$0x1], $0x80, $0x38;
	[tilespmem:$0x6320] =	vst v63  }
0x200: {  	s12 =	simm.s32 $0x5480;
	s11 =	sadd.s32 $0x80, s8  }
0x201: {  	[hbm4b:s11+s6] =	stream.linear.scatter [tilespmem:s12], [sflag:$0x1], $0x80, $0x38;
	[tilespmem:$0x6320] =	vst v63  }
0x202: {  	s14 =	simm.s32 $0x5580;
	s13 =	sadd.s32 $0xA0, s8  }
0x203: {  	[hbm4b:s13+s6] =	stream.linear.scatter [tilespmem:s14], [sflag:$0x1], $0x80, $0x38;
	[tilespmem:$0x6320] =	vst v63  }
0x204: {  	s16 =	simm.s32 $0x5680;
	s15 =	sadd.s32 $0xC0, s8  }
0x205: {  	[hbm4b:s15+s6] =	stream.linear.scatter [tilespmem:s16], [sflag:$0x1], $0x80, $0x38;
	[tilespmem:$0x6320] =	vst v63  }
0x206: {  	s18 =	simm.s32 $0x5780;
	s17 =	sadd.s32 $0xE0, s8  }
0x207: {  	[hbm4b:s17+s6] =	stream.linear.scatter [tilespmem:s18], [sflag:$0x1], $0x80, $0x38;
	[tilespmem:$0x6320] =	vst v63  }
0x208: {  	s20 =	simm.s32 $0x5880;
	s19 =	sadd.s32 $0x100, s8  }
0x209: {  	[hbm4b:s19+s6] =	stream.linear.scatter [tilespmem:s20], [sflag:$0x1], $0x80, $0x38;
	[tilespmem:$0x6320] =	vst v63  }
0x20a: {  	s22 =	simm.s32 $0x5980;
	s21 =	sadd.s32 $0x120, s8  }
0x20b: {  	[hbm4b:s21+s6] =	stream.linear.scatter [tilespmem:s22], [sflag:$0x1], $0x80, $0x38;
	[tilespmem:$0x6320] =	vst v63  }
0x20c: {  	s23 =	sadd.s32 $0x140, s8;
	s24 =	simm.s32 $0x5A80  }
0x20d: {  	[hbm4b:s23+s6] =	stream.linear.scatter [tilespmem:s24], [sflag:$0x1], $0x80, $0x38;
	[tilespmem:$0x6320] =	vst v63  }
0x20e: {  	s25 =	sadd.s32 $0x160, s8;
	s26 =	simm.s32 $0x5B80  }
0x20f: {  	[hbm4b:s25+s6] =	stream.linear.scatter [tilespmem:s26], [sflag:$0x1], $0x80, $0x38;
	[tilespmem:$0x6320] =	vst v63  }
0x210: {  	s28 =	sadd.s32 $0x180, s8;
	s29 =	simm.s32 $0x5C80  }
0x211: {  	[hbm4b:s28+s6] =	stream.linear.scatter [tilespmem:s29], [sflag:$0x1], $0x80, $0x38;
	[tilespmem:$0x6320] =	vst v63  }
0x212: {  	s30 =	sadd.s32 $0x1A0, s8;
	s31 =	simm.s32 $0x5D80  }
0x213: {  	[hbm4b:s30+s6] =	stream.linear.scatter [tilespmem:s31], [sflag:$0x1], $0x80, $0x38;
	[tilespmem:$0x6320] =	vst v63  }
0x214: {  	s11 =	sadd.s32 $0x1C0, s8;
	s12 =	simm.s32 $0x5E80  }
0x215: {  	[hbm4b:s11+s6] =	stream.linear.scatter [tilespmem:s12], [sflag:$0x1], $0x80, $0x38;
	[tilespmem:$0x6320] =	vst v63  }
0x216: {  	s7 =	sor.u32 $0x10, s7;
	s8 =	sadd.s32 $0x1E0, s8;
	s13 =	simm.s32 $0x5F80  }
0x217: {  	[hbm4b:s8+s6] =	stream.linear.scatter [tilespmem:s13], [sflag:$0x1], $0x80, $0x38;
	[tilespmem:$0x6320] =	vst v63  }
0x218: {  	s5 =	sadd.s32 s5, s7;
	s14 =	simm.s32 $0x4100  }
0x219: {  	[hbm4b:s5+s6] =	stream.linear.scatter [tilespmem:s14], [sflag:$0x1], $0x80, $0x38;
	[tilespmem:$0x6320] =	vst v63  }
0x21a: {  	s15 =	sadd.s32 $0x20, s5;
	s16 =	simm.s32 $0x4200  }
0x21b: {  	[hbm4b:s15+s6] =	stream.linear.scatter [tilespmem:s16], [sflag:$0x1], $0x80, $0x38;
	[tilespmem:$0x6320] =	vst v63  }
0x21c: {  	s17 =	sadd.s32 $0x40, s5;
	s18 =	simm.s32 $0x4300  }
0x21d: {  	[hbm4b:s17+s6] =	stream.linear.scatter [tilespmem:s18], [sflag:$0x1], $0x80, $0x38;
	[tilespmem:$0x6320] =	vst v63  }
0x21e: {  	s19 =	sadd.s32 $0x60, s5;
	s20 =	simm.s32 $0x4400  }
0x21f: {  	[hbm4b:s19+s6] =	stream.linear.scatter [tilespmem:s20], [sflag:$0x1], $0x80, $0x38;
	[tilespmem:$0x6320] =	vst v63  }
0x220: {  	s21 =	sadd.s32 $0x80, s5;
	s22 =	simm.s32 $0x4500  }
0x221: {  	[hbm4b:s21+s6] =	stream.linear.scatter [tilespmem:s22], [sflag:$0x1], $0x80, $0x38;
	[tilespmem:$0x6320] =	vst v63  }
0x222: {  	s23 =	sadd.s32 $0xA0, s5;
	s24 =	simm.s32 $0x4600  }
0x223: {  	[hbm4b:s23+s6] =	stream.linear.scatter [tilespmem:s24], [sflag:$0x1], $0x80, $0x38;
	[tilespmem:$0x6320] =	vst v63  }
0x224: {  	s25 =	sadd.s32 $0xC0, s5;
	s26 =	simm.s32 $0x4700  }
0x225: {  	[hbm4b:s25+s6] =	stream.linear.scatter [tilespmem:s26], [sflag:$0x1], $0x80, $0x38;
	[tilespmem:$0x6320] =	vst v63  }
0x226: {  	s28 =	sadd.s32 $0xE0, s5;
	s29 =	simm.s32 $0x4800  }
0x227: {  	[hbm4b:s28+s6] =	stream.linear.scatter [tilespmem:s29], [sflag:$0x1], $0x80, $0x38;
	[tilespmem:$0x6320] =	vst v63  }
0x228: {  	s30 =	sadd.s32 $0x100, s5;
	s31 =	simm.s32 $0x4900  }
0x229: {  	[hbm4b:s30+s6] =	stream.linear.scatter [tilespmem:s31], [sflag:$0x1], $0x80, $0x38;
	[tilespmem:$0x6320] =	vst v63  }
0x22a: {  	s10 =	simm.s32 $0x4A00;
	s9 =	sadd.s32 $0x120, s5  }
0x22b: {  	[hbm4b:s9+s6] =	stream.linear.scatter [tilespmem:s10], [sflag:$0x1], $0x80, $0x38;
	[tilespmem:$0x6320] =	vst v63  }
0x22c: {  	s11 =	sadd.s32 $0x140, s5;
	s12 =	simm.s32 $0x4B00  }
0x22d: {  	[hbm4b:s11+s6] =	stream.linear.scatter [tilespmem:s12], [sflag:$0x1], $0x80, $0x38;
	[tilespmem:$0x6320] =	vst v63  }
0x22e: {  	s13 =	sadd.s32 $0x160, s5;
	s14 =	simm.s32 $0x4C00  }
0x22f: {  	[hbm4b:s13+s6] =	stream.linear.scatter [tilespmem:s14], [sflag:$0x1], $0x80, $0x38;
	[tilespmem:$0x6320] =	vst v63  }
0x230: {  	s15 =	sadd.s32 $0x180, s5;
	s16 =	simm.s32 $0x4D00  }
0x231: {  	[hbm4b:s15+s6] =	stream.linear.scatter [tilespmem:s16], [sflag:$0x1], $0x80, $0x38;
	[tilespmem:$0x6320] =	vst v63  }
0x232: {  	s17 =	sadd.s32 $0x1A0, s5;
	s18 =	simm.s32 $0x4E00  }
0x233: {  	[hbm4b:s17+s6] =	stream.linear.scatter [tilespmem:s18], [sflag:$0x1], $0x80, $0x38;
	[tilespmem:$0x6320] =	vst v63  }
0x234: {  	s19 =	sadd.s32 $0x1C0, s5;
	s20 =	simm.s32 $0x4F00  }
0x235: {  	[hbm4b:s19+s6] =	stream.linear.scatter [tilespmem:s20], [sflag:$0x1], $0x80, $0x38;
	[tilespmem:$0x6320] =	vst v63  }
0x236: {  	s5 =	sadd.s32 $0x1E0, s5;
	s21 =	simm.s32 $0x5000  }
0x237: {  	[hbm4b:s5+s6] =	stream.linear.scatter [tilespmem:s21], [sflag:$0x1], $0x80, $0x38;
	[tilespmem:$0x6320] =	vst v63  }
0x238: {  	s4 =	sadd.s32 s4, s7;
	s22 =	simm.s32 $0x5100  }
0x239: {  	[hbm4b:s4+s6] =	stream.linear.scatter [tilespmem:s22], [sflag:$0x1], $0x80, $0x38;
	[tilespmem:$0x6320] =	vst v63  }
0x23a: {  	s23 =	sadd.s32 $0x20, s4;
	s24 =	simm.s32 $0x5200  }
0x23b: {  	[hbm4b:s23+s6] =	stream.linear.scatter [tilespmem:s24], [sflag:$0x1], $0x80, $0x38;
	[tilespmem:$0x6320] =	vst v63  }
0x23c: {  	s25 =	sadd.s32 $0x40, s4;
	s26 =	simm.s32 $0x5300  }
0x23d: {  	[hbm4b:s25+s6] =	stream.linear.scatter [tilespmem:s26], [sflag:$0x1], $0x80, $0x38;
	[tilespmem:$0x6320] =	vst v63  }
0x23e: {  	s28 =	sadd.s32 $0x60, s4;
	s29 =	simm.s32 $0x5400  }
0x23f: {  	[hbm4b:s28+s6] =	stream.linear.scatter [tilespmem:s29], [sflag:$0x1], $0x80, $0x38;
	[tilespmem:$0x6320] =	vst v63  }
0x240: {  	s30 =	sadd.s32 $0x80, s4;
	s31 =	simm.s32 $0x5500  }
0x241: {  	[hbm4b:s30+s6] =	stream.linear.scatter [tilespmem:s31], [sflag:$0x1], $0x80, $0x38;
	[tilespmem:$0x6320] =	vst v63  }
0x242: {  	s8 =	sadd.s32 $0xA0, s4;
	s9 =	simm.s32 $0x5600  }
0x243: {  	[hbm4b:s8+s6] =	stream.linear.scatter [tilespmem:s9], [sflag:$0x1], $0x80, $0x38;
	[tilespmem:$0x6320] =	vst v63  }
0x244: {  	s10 =	sadd.s32 $0xC0, s4;
	s11 =	simm.s32 $0x5700  }
0x245: {  	[hbm4b:s10+s6] =	stream.linear.scatter [tilespmem:s11], [sflag:$0x1], $0x80, $0x38;
	[tilespmem:$0x6320] =	vst v63  }
0x246: {  	s12 =	sadd.s32 $0xE0, s4;
	s13 =	simm.s32 $0x5800  }
0x247: {  	[hbm4b:s12+s6] =	stream.linear.scatter [tilespmem:s13], [sflag:$0x1], $0x80, $0x38;
	[tilespmem:$0x6320] =	vst v63  }
0x248: {  	s14 =	sadd.s32 $0x100, s4;
	s15 =	simm.s32 $0x5900  }
0x249: {  	[hbm4b:s14+s6] =	stream.linear.scatter [tilespmem:s15], [sflag:$0x1], $0x80, $0x38;
	[tilespmem:$0x6320] =	vst v63  }
0x24a: {  	s16 =	sadd.s32 $0x120, s4;
	s17 =	simm.s32 $0x5A00  }
0x24b: {  	[hbm4b:s16+s6] =	stream.linear.scatter [tilespmem:s17], [sflag:$0x1], $0x80, $0x38;
	[tilespmem:$0x6320] =	vst v63  }
0x24c: {  	s18 =	sadd.s32 $0x140, s4;
	s19 =	simm.s32 $0x5B00  }
0x24d: {  	[hbm4b:s18+s6] =	stream.linear.scatter [tilespmem:s19], [sflag:$0x1], $0x80, $0x38;
	[tilespmem:$0x6320] =	vst v63  }
0x24e: {  	s20 =	sadd.s32 $0x160, s4;
	s21 =	simm.s32 $0x5C00  }
0x24f: {  	[hbm4b:s20+s6] =	stream.linear.scatter [tilespmem:s21], [sflag:$0x1], $0x80, $0x38;
	[tilespmem:$0x6320] =	vst v63  }
0x250: {  	s22 =	sadd.s32 $0x180, s4;
	s23 =	simm.s32 $0x5D00  }
0x251: {  	[hbm4b:s22+s6] =	stream.linear.scatter [tilespmem:s23], [sflag:$0x1], $0x80, $0x38;
	[tilespmem:$0x6320] =	vst v63  }
0x252: {  	s24 =	sadd.s32 $0x1A0, s4;
	s25 =	simm.s32 $0x5E00  }
0x253: {  	[hbm4b:s24+s6] =	stream.linear.scatter [tilespmem:s25], [sflag:$0x1], $0x80, $0x38;
	[tilespmem:$0x6320] =	vst v63  }
0x254: {  	s26 =	sadd.s32 $0x1C0, s4;
	s28 =	simm.s32 $0x5F00  }
0x255: {  	[hbm4b:s26+s6] =	stream.linear.scatter [tilespmem:s28], [sflag:$0x1], $0x80, $0x38;
	[tilespmem:$0x6320] =	vst v63  }
0x256: {  	s4 =	sadd.s32 $0x1E0, s4;
	s29 =	simm.s32 $0x6000;
	s30 =	sshll.u32 s3, $0x5  }
0x257: {  	[hbm4b:s4+s6] =	stream.linear.scatter [tilespmem:s29], [sflag:$0x1], $0x80, $0x38;
	[tilespmem:$0x6320] =	vst v63  }
0x258: {  	s5 =	simm.s32 $0x6080;
	s4 =	sadd.s32 s30, s2  }
0x259: {  	[spmem:s4] =	stream.linear.scatter [tilespmem:s5], [sflag:$0x2], $0x20, $0x38;
	[tilespmem:$0x6320] =	vst v63  }
0x25a: {  	s4 =	simm.s32 $0x2  }
0x25b: {  	_ =	swait.ge [sflag:s4], $0x20  }
0x25c: {  	[sflag:s4] =	ssyncset.done $0x0  }
0x25d: {  	s31 =	simm.s32 $0x1;
	[sflag:s4] =	ssyncadd.s32 $0xFFFFFFE0  }
0x25e: {  	_ =	swait.ge [sflag:s31], $0x800  }
0x25f: {  	[sflag:s31] =	ssyncset.done $0x0  }
0x260: {  	[sflag:s31] =	ssyncadd.s32 $0xFFFFF800  }
0x261: {  	_ =	swait.ge [sflag:s31], $0x800  }
0x262: {  	[sflag:s31] =	ssyncset.done $0x0  }
0x263: {  	[sflag:s31] =	ssyncadd.s32 $0xFFFFF800  }
0x264: {  	_ =	swait.ge [sflag:s31], $0x800  }
0x265: {  	[sflag:s31] =	ssyncset.done $0x0  }
0x266: {  	[sflag:s31] =	ssyncadd.s32 $0xFFFFF800  }
0x267: {  	_ =	swait.ge [sflag:s31], $0x800  }
0x268: {  	[sflag:s31] =	ssyncset.done $0x0  }
0x269: {  	[sflag:s31] =	ssyncadd.s32 $0xFFFFF800  }
0x26a: {  	p0 =	sne.s32 s3, $0x0;
	[bflag:$0x0] =	sbarrier.arrive $0xFFFF  }
0x26b: {  	_ =	sfence.sel @p0 $0x180000  }
0x26c: {  	[bflag:$0x0] =	sbarrier.arrive @p0 $0xFFFF  }
0x26d: {  	_ =	strace @p0 $0x90000047  }
0x26e: {  	[bflag:$0x2] =	sbarrier.arrive @p0 $0xFFFF  }
0x26f: {  	_ =	shalt @p0  }
.LBB2_3:
0x270: {  	s3 =	simm.s32 $0x6100  }
0x271: {  	[tilespmem:s3], [sflag:$0x2] =	stream.linear.gather [spmem:s2], $0x200, $0x38;
	[tilespmem:$0x6320] =	vst v63  }
0x272: {  	_ =	swait.ge [sflag:s4], $0x200  }
0x273: {  	[sflag:s4] =	ssyncset.done $0x0  }
0x274: {  	[sflag:s4] =	ssyncadd.s32 $0xFFFFFE00  }
0x275: {  	v0 =	vld [tilespmem:$0x6100]  }
0x276: {  	v1 =	vld [tilespmem:$0x6110]  }
0x277: {  	v2 =	vld [tilespmem:$0x6120]  }
0x278: {  	v3 =	vld [tilespmem:$0x6130]  }
0x279: {  	v4 =	vld [tilespmem:$0x6140]  }
0x27a: {  	v5 =	vld [tilespmem:$0x6150]  }
0x27b: {  	v6 =	vld [tilespmem:$0x6160]  }
0x27c: {  	v7 =	vld [tilespmem:$0x6170]  }
0x27d: {  	v8 =	vld [tilespmem:$0x6180]  }
0x27e: {  	v9 =	vld [tilespmem:$0x6190]  }
0x27f: {  	v10 =	vld [tilespmem:$0x61A0]  }
0x280: {  	v11 =	vld [tilespmem:$0x61B0]  }
0x281: {  	v12 =	vld [tilespmem:$0x61C0]  }
0x282: {  	v13 =	vld [tilespmem:$0x61D0]  }
0x283: {  	v14 =	vld [tilespmem:$0x61E0]  }
0x284: {  	v16 =	vld [tilespmem:$0x6200]  }
0x285: {  	v17 =	vld [tilespmem:$0x6210]  }
0x286: {  	v18 =	vld [tilespmem:$0x6220]  }
0x287: {  	v19 =	vld [tilespmem:$0x6230]  }
0x288: {  	v39 =	vld [tilespmem:$0x6280]  }
0x289: {  	v40 =	vld [tilespmem:$0x6290]  }
0x28a: {  	v43 =	vld [tilespmem:$0x62A0]  }
0x28b: {  	v44 =	vld [tilespmem:$0x62B0]  }
0x28c: {  	v15 =	vld [tilespmem:$0x61F0]  }
0x28d: {  	v20 =	vld [tilespmem:$0x6240];
	v0 =	vadd.f32 v2, v0;
	v1 =	vadd.f32 v3, v1  }
0x28e: {  	v21 =	vld [tilespmem:$0x6250];
	v41 =	vadd.f32 v10, v8;
	v42 =	vadd.f32 v11, v9  }
0x28f: {  	v22 =	vld [tilespmem:$0x6260];
	v47 =	vadd.f32 v18, v16;
	v48 =	vadd.f32 v19, v17  }
0x290: {  	v38 =	vld [tilespmem:$0x6270];
	v52 =	vadd.f32 v43, v39;
	v53 =	vadd.f32 v44, v40  }
0x291: {  	v49 =	vld [tilespmem:$0x62D0];
	v0 =	vadd.f32 v4, v0;
	v1 =	vadd.f32 v5, v1  }
0x292: {  	v46 =	vld [tilespmem:$0x62C0];
	v5 =	vadd.f32 v12, v41;
	v45 =	vadd.f32 v13, v42  }
0x293: {  	v50 =	vld [tilespmem:$0x62E0];
	v0 =	vadd.f32 v6, v0;
	v1 =	vadd.f32 v7, v1  }
0x294: {  	v51 =	vld [tilespmem:$0x62F0];
	v10 =	vadd.f32 v20, v47;
	v11 =	vadd.f32 v21, v48  }
0x295: {  	v5 =	vadd.f32 v14, v5;
	v7 =	vadd.f32 v15, v45;
	v0 =	vmul.f32 v1, v0  }
0x296: {  	v3 =	vadd.f32 v49, v53;
	v54 =	vadd.f32 v22, v10  }
0x297: {  	v2 =	vadd.f32 v38, v11;
	v55 =	vmul.f32 v7, v5;
	v1 =	vadd.f32 v46, v52;
	(xrf2) =	vadd.scan.msk.f32 $0xffff, v0;
	_ =	sdelay $0x1  }
0x298: {  	v57 =	vadd.f32 v51, v3;
	v56 =	vmul.f32 v2, v54;
	v1 =	vadd.f32 v50, v1;
	(xrf2) =	vadd.scan.msk.f32 $0xffff, v55;
	_ =	sdelay $0x1  }
0x299: {  	(xrf2) =	vadd.scan.msk.f32 $0xffff, v56;
	v58 =	vmul.f32 v57, v1;
	_ =	sdelay $0x1  }
0x29a: {  	(xrf2) =	vadd.scan.msk.f32 $0xffff, v58;
	_ =	sdelay $0x3  }
0x29b: {  	v59, _, _ =	vpop (xrf2)  }
0x29c: {  	(v2sf) =	vpush v59, $0xF  }
0x29d: {  	v60, _, _ =	vpop (xrf2)  }
0x29e: {  	(v2sf) =	vpush v60, $0xF  }
0x29f: {  	v61, _, _ =	vpop (xrf2)  }
0x2a0: {  	(v2sf) =	vpush v61, $0xF  }
0x2a1: {  	v62, _, _ =	vpop (xrf2)  }
0x2a2: {  	(v2sf) =	vpush v62, $0xF;
	_ =	sdelay $0x8  }
0x2a3: {  	s28 =	spop (v2sf)  }
0x2a4: {  	s2 =	sadd.f32 $0.0e+00, s28  }
0x2a5: {  	s29 =	spop (v2sf)  }
0x2a6: {  	s2 =	sadd.f32 s29, s2  }
0x2a7: {  	s30 =	spop (v2sf)  }
0x2a8: {  	s2 =	sadd.f32 s30, s2  }
0x2a9: {  	s31 =	spop (v2sf)  }
0x2aa: {  	s2 =	sadd.f32 s31, s2;
	_ =	sdelay $0x1  }
0x2ab: {  	s2 =	smul.f32 $1.862645110e-11, s2;
	_ =	sdelay $0x1  }
0x2ac: {  	vm0 =	vcmask $0x300;
	v63 =	vmov s2  }
0x2ad: {  	v0 =	vnsel vm0, $0x0, v63  }
0x2ae: {  	[tilespmem:$0x6080] =	vst v0  }
0x2af: {  	[hbm4b:s1+s6] =	stream.linear.scatter [tilespmem:s5], [sflag:$0x2], $0x10, $0x38;
	[tilespmem:$0x6320] =	vst v63  }
0x2b0: {  	_ =	swait.ge [sflag:s4], $0x10  }
0x2b1: {  	[sflag:s4] =	ssyncset.done $0x0  }
0x2b2: {  	[sflag:s4] =	ssyncadd.s32 $0xFFFFFFF0  }
0x2b3: {  	_ =	sfence.sel $0x180000  }
0x2b4: {  	[bflag:$0x0] =	sbarrier.arrive $0xFFFF  }
0x2b5: {  	_ =	strace $0x90000047  }
0x2b6: {  	s0 =	sadd.s32 $0x100000, s0;
	[bflag:$0x2] =	sbarrier.arrive $0xFFFF  }
0x2b7: {  	[sflag:s0] =	ssyncadd.tile.s32 $0x1;
	_ =	shalt  }
.Lfunc_end2:
_tile_overlayer_lowered:
.L_overlay_start_2:
0x2b8: {  	(tag) =	ssettag $0x2  }
0x2b9: {  	s0 =	rddreg [dreg:$0x0];
	s2 =	stileid.u32  }
0x2ba: {  	s1 =	rddreg [dreg:$0x1];
	p0 =	sne.s32 s2, $0x0  }
0x2bb: {  	s3 =	rddreg [dreg:$0x2];
	[bflag:$0x3] =	sbarrier.arrive $0xFFFF;
	s2 =	simm.s32 @!p0 $0x1C02  }
0x2bc: {  	[timem:s3], [sflag:s2] =	dma.local @!p0 [hbm:s0], s1  }
0x2bd: {  	s0 =	simm.s32 @!p0 $0x2  }
0x2be: {  	_ =	swait.ge @!p0 [sflag:s0], s1  }
0x2bf: {  	s1 =	ssub.s32 @!p0 $0x0, s1;
	[sflag:s0] =	ssyncset.done @!p0 $0x0  }
0x2c0: {  	[sflag:s0] =	ssyncadd.s32 @!p0 s1  }
0x2c1: {  	[bflag:$0x3] =	sbarrier.arrive $0xFFFF  }
0x2c2: {  	_ =	shalt  }

</sc_bundles>
